<compile_context>
chip_gen: v7x
topology: tpu7x:2x2x1
jax: 0.10.2.dev20260603
libtpu: 0.0.44.dev20260713+nightly
codegen_flags: <defaults>
</compile_context>

<pallas_src>
import numpy as np
import jax
import jax.numpy as jnp
from jax import lax
from jax.experimental import pallas as pl
from jax.experimental.pallas import tpu as pltpu
from jax.experimental.pallas import tpu_sc as plsc

B = 4096
F = 26
V = 100000
E = 16
PAIRS = F * (F - 1) // 2
DNN_IN = PAIRS * E
NW = 32
PW2 = B // NW * F * E
PW1 = B // NW * F
BLK = 512

_PERM = np.zeros((F * E, F * E), np.float32)
for _f in range(F):
    for _e in range(E):
        _PERM[_e * F + _f, _f * E + _e] = 1.0


def _idx_body(si_ref, perm_ref, out_ref):
    sif = si_ref[...].astype(jnp.float32)
    rep = pltpu.repeat(sif, E, axis=1)
    perm = jnp.dot(rep, perm_ref[...],
                   preferred_element_type=jnp.float32)
    base = jax.lax.broadcasted_iota(jnp.int32, (1, F * E), 1) * V
    out_ref[...] = perm.astype(jnp.int32) + base


def _build_idx2(si):
    return pl.pallas_call(
        _idx_body,
        grid=(B // BLK,),
        in_specs=[pl.BlockSpec((BLK, F), lambda i: (i, 0)),
                  pl.BlockSpec((F * E, F * E), lambda i: (0, 0))],
        out_specs=pl.BlockSpec((BLK, F * E), lambda i: (i, 0)),
        out_shape=jax.ShapeDtypeStruct((B, F * E), jnp.int32),
    )(si, jnp.asarray(_PERM))


def _sc_gather(t2, t1, i2, i1):
    mesh = plsc.VectorSubcoreMesh(core_axis_name="c", subcore_axis_name="s")
    CH = 16
    CHUNK = PW2 // CH
    LD = 4
    LDCH = PW2 // LD

    @pl.kernel(
        out_type=(
            jax.ShapeDtypeStruct((NW, PW2), jnp.float32),
            jax.ShapeDtypeStruct((NW, PW1), jnp.float32),
        ),
        mesh=mesh,
        scratch_types=[
            pltpu.VMEM((PW2,), jnp.int32),
            pltpu.VMEM((PW2,), jnp.float32),
            pltpu.VMEM((PW1,), jnp.int32),
            pltpu.VMEM((PW1,), jnp.float32),
            pltpu.SemaphoreType.DMA,
            pltpu.SemaphoreType.DMA,
            pltpu.SemaphoreType.DMA,
            pltpu.SemaphoreType.DMA,
        ],
        compiler_params=pltpu.CompilerParams(use_tc_tiling_on_sc=False),
    )
    def k(t2_hbm, t1_hbm, i2_hbm, i1_hbm, o2_hbm, o1_hbm,
          idx2_v, vals2_v, idx1_v, vals1_v, semi, sem2, sem1, semo):
        wid = lax.axis_index("s") * 2 + lax.axis_index("c")
        loads = []
        for j in range(LD):
            sl = pl.ds(j * LDCH, LDCH)
            loads.append(pltpu.async_copy(i2_hbm.at[wid, sl], idx2_v.at[sl],
                                          semi))
        cpi1 = pltpu.async_copy(i1_hbm.at[wid], idx1_v, sem1)
        cpi1.wait()
        cp1 = pltpu.async_copy(t1_hbm.at[idx1_v], vals1_v, sem1)
        for ld in loads:
            ld.wait()
        HALF = CH // 2
        wave_a, wave_b = [], []
        for c in range(HALF):
            sl = pl.ds(c * CHUNK, CHUNK)
            wave_a.append(pltpu.async_copy(t2_hbm.at[idx2_v.at[sl]],
                                           vals2_v.at[sl], sem2))
        for c in range(HALF, CH):
            sl = pl.ds(c * CHUNK, CHUNK)
            wave_b.append(pltpu.async_copy(t2_hbm.at[idx2_v.at[sl]],
                                           vals2_v.at[sl], semi))
        outs = []
        for g in wave_a:
            g.wait()
        for c in range(HALF):
            sl = pl.ds(c * CHUNK, CHUNK)
            outs.append(pltpu.async_copy(vals2_v.at[sl], o2_hbm.at[wid, sl],
                                         semo))
        for g in wave_b:
            g.wait()
        for c in range(HALF, CH):
            sl = pl.ds(c * CHUNK, CHUNK)
            outs.append(pltpu.async_copy(vals2_v.at[sl], o2_hbm.at[wid, sl],
                                         semo))
        cp1.wait()
        outs.append(pltpu.async_copy(vals1_v, o1_hbm.at[wid], semo))
        for cp in outs:
            cp.wait()

    return k(t2, t1, i2, i1)


def _tc_body(e2_ref, l1_ref, dense_ref, Wld_ref, bld_ref,
             W1_ref, b1_ref, W2_ref, b2_ref, W3_ref, b3_ref, W4_ref, b4_ref,
             Wf_ref, bf_ref, Wl_ref, bl_ref, fin_ref, like_ref):
    x = e2_ref[...]
    pieces = []
    for i in range(F - 1):
        xi = x[:, i * E:(i + 1) * E]
        rest = x[:, (i + 1) * E:]
        rep = pltpu.repeat(xi, F - 1 - i, axis=1)
        pieces.append((rep * rest).astype(jnp.bfloat16))
    prods = jnp.concatenate(pieces, axis=1)
    h = jnp.dot(prods, W1_ref[...], preferred_element_type=jnp.float32)
    h = jnp.maximum(h + b1_ref[...], 0.0).astype(jnp.bfloat16)
    h = jnp.dot(h, W2_ref[...], preferred_element_type=jnp.float32)
    h = jnp.maximum(h + b2_ref[...], 0.0).astype(jnp.bfloat16)
    h = jnp.dot(h, W3_ref[...], preferred_element_type=jnp.float32)
    h = jnp.maximum(h + b3_ref[...], 0.0).astype(jnp.bfloat16)
    dnn = jnp.dot(h, W4_ref[...], preferred_element_type=jnp.float32) + b4_ref[...]

    linsum = jnp.sum(l1_ref[...], axis=1, keepdims=True)
    first = jnp.dot(dense_ref[...], Wld_ref[...],
                    preferred_element_type=jnp.float32) + bld_ref[...] + linsum

    logits = first + dnn
    fin_ref[...] = jax.nn.sigmoid(logits * Wf_ref[0, 0] + bf_ref[0, 0])
    like_ref[...] = jax.nn.sigmoid(logits * Wl_ref[0, 0] + bl_ref[0, 0])


def _tc_specs():
    def blk(shape):
        return pl.BlockSpec(shape, lambda i: (i, 0))

    def whole(shape):
        return pl.BlockSpec(shape, lambda i: (0, 0))

    in_specs = [
        blk((BLK, F * E)),
        blk((BLK, F)),
        blk((BLK, 13)),
        whole((13, 1)), whole((1, 1)),
        whole((DNN_IN, 200)), whole((1, 200)),
        whole((200, 200)), whole((1, 200)),
        whole((200, 200)), whole((1, 200)),
        whole((200, 1)), whole((1, 1)),
        whole((1, 1)), whole((1, 1)),
        whole((1, 1)), whole((1, 1)),
    ]
    out_specs = [blk((BLK, 1)), blk((BLK, 1))]
    return in_specs, out_specs


def _tc_forward(e2g, l1v, dense, Wld, bld, W1, b1, W2, b2, W3, b3,
                W4, b4, Wf, bf, Wl, bl):
    in_specs, out_specs = _tc_specs()
    return pl.pallas_call(
        _tc_body,
        grid=(B // BLK,),
        in_specs=in_specs,
        out_specs=out_specs,
        out_shape=(
            jax.ShapeDtypeStruct((B, 1), jnp.float32),
            jax.ShapeDtypeStruct((B, 1), jnp.float32),
        ),
    )(e2g, l1v, dense, Wld, bld, W1, b1, W2, b2, W3, b3, W4, b4,
      Wf, bf, Wl, bl)


def kernel(sparse_inputs, dense_inputs, emb1, emb2, W_ld, b_ld,
           W1, b1, W2, b2, W3, b3, W4, b4, Wf, bf, Wl, bl):
    si = sparse_inputs.astype(jnp.int32)
    t2 = emb2.transpose(0, 2, 1).reshape(F * E * V)
    t1 = emb1.reshape(F * V)
    idx2 = _build_idx2(si)
    idx1 = si + (jnp.arange(F, dtype=jnp.int32) * V)[None, :]

    e2g, l1v = _sc_gather(t2, t1, idx2.reshape(NW, PW2), idx1.reshape(NW, PW1))
    e2g = e2g.reshape(B, F * E)
    l1v = l1v.reshape(B, F)

    return _tc_forward(
        e2g, l1v, dense_inputs, W_ld, b_ld.reshape(1, 1),
        W1.astype(jnp.bfloat16), b1.reshape(1, 200),
        W2.astype(jnp.bfloat16), b2.reshape(1, 200),
        W3.astype(jnp.bfloat16), b3.reshape(1, 200),
        W4.astype(jnp.bfloat16), b4.reshape(1, 1),
        Wf, bf.reshape(1, 1), Wl, bl.reshape(1, 1))

# --- scband reference (transcript-rebuilt; emitter-appended) ---
"""Pipeline reference for scband-nfm-75969381532108 (READ-ONLY COPY).

The authoritative reference and input builder live on the scoring server;
editing this copy changes nothing except your own understanding.
"""

import jax, jax.numpy as jnp
import numpy as np

B = 4096
F = 26
V = 100000
D = 13
E = 16
PAIRS = F * (F - 1) // 2  # 325
DNN_IN = PAIRS * E  # 5200


def setup_inputs(seed: int = 0) -> dict:
    key = jax.random.key(seed)
    ks = jax.random.split(key, 20)
    inp = {}
    inp["sparse_inputs"] = jax.random.randint(ks[0], (B, F), 0, V)
    inp["dense_inputs"] = jax.random.normal(ks[1], (B, D), dtype=jnp.float32)
    # first-order (linear) embedding tables, stacked: [F, V, 1]
    inp["emb1"] = jax.random.normal(ks[2], (F, V, 1), dtype=jnp.float32) * 0.01
    # second-order embedding tables, stacked: [F, V, E]
    inp["emb2"] = jax.random.normal(ks[3], (F, V, E), dtype=jnp.float32) * 0.01
    inp["W_ld"] = jax.random.normal(ks[4], (D, 1), dtype=jnp.float32) * 0.05
    inp["b_ld"] = jnp.zeros((1,), dtype=jnp.float32)
    inp["W1"] = jax.random.normal(ks[5], (DNN_IN, 200), dtype=jnp.float32) * 0.02
    inp["b1"] = jnp.zeros((200,), dtype=jnp.float32)
    inp["W2"] = jax.random.normal(ks[6], (200, 200), dtype=jnp.float32) * 0.05
    inp["b2"] = jnp.zeros((200,), dtype=jnp.float32)
    inp["W3"] = jax.random.normal(ks[7], (200, 200), dtype=jnp.float32) * 0.05
    inp["b3"] = jnp.zeros((200,), dtype=jnp.float32)
    inp["W4"] = jax.random.normal(ks[8], (200, 1), dtype=jnp.float32) * 0.05
    inp["b4"] = jnp.zeros((1,), dtype=jnp.float32)
    inp["Wf"] = jax.random.normal(ks[9], (1, 1), dtype=jnp.float32) * 0.5
    inp["bf"] = jnp.zeros((1,), dtype=jnp.float32)
    inp["Wl"] = jax.random.normal(ks[10], (1, 1), dtype=jnp.float32) * 0.5
    inp["bl"] = jnp.zeros((1,), dtype=jnp.float32)
    return inp


def reference(sparse_inputs, dense_inputs, emb1, emb2, W_ld, b_ld,
              W1, b1, W2, b2, W3, b3, W4, b4, Wf, bf, Wl, bl):
    fidx = jnp.arange(F)[None, :]  # [1, F] broadcasts against [B, F]
    # ---- first order ----
    linear_dense_out = dense_inputs @ W_ld + b_ld  # [B, 1]
    lin_sparse = emb1[fidx, sparse_inputs][..., 0]  # gather -> [B, F]
    linear_sparse_out = jnp.sum(lin_sparse, axis=1, keepdims=True)  # [B, 1]
    first_order_output = linear_dense_out + linear_sparse_out
    # ---- second order embeddings (gather) ----
    e2 = emb2[fidx, sparse_inputs]  # [B, F, E]
    # ---- pairwise element-wise products ----
    iu, ju = jnp.triu_indices(F, k=1)
    prods = e2[:, iu, :] * e2[:, ju, :]  # [B, PAIRS, E]
    nfm_flatten = prods.reshape(prods.shape[0], -1)  # [B, PAIRS*E]
    # ---- DNN (dropout inactive at inference) ----
    h = jax.nn.relu(nfm_flatten @ W1 + b1)
    h = jax.nn.relu(h @ W2 + b2)
    h = jax.nn.relu(h @ W3 + b3)
    dnn_output = h @ W4 + b4  # [B, 1]
    logits = first_order_output + dnn_output
    finish = jax.nn.sigmoid(logits @ Wf + bf)
    like = jax.nn.sigmoid(logits @ Wl + bl)
    return (finish, like)

if __name__ == "__main__":
    import jax
    _d = setup_inputs()
    print(jax.jit(kernel)(*tuple(_d.values())))

</pallas_src>

<mosaic_0001>
#map = affine_map<(d0, d1) -> (0)>
#map1 = affine_map<(d0, d1) -> (0, 0)>
module attributes {stable_mosaic.version = 14 : i64} {
  func.func @k(%arg0: i32, %arg1: i32, %arg2: memref<41600000xf32, #tpu.memory_space<hbm>>, %arg3: memref<2600000xf32, #tpu.memory_space<hbm>>, %arg4: memref<32x53248xi32, #tpu.memory_space<hbm>>, %arg5: memref<32x3328xi32, #tpu.memory_space<hbm>>, %arg6: memref<32x53248xf32, #tpu.memory_space<hbm>>, %arg7: memref<32x3328xf32, #tpu.memory_space<hbm>>, %arg8: memref<53248xi32, #tpu.memory_space<vmem>>, %arg9: memref<53248xf32, #tpu.memory_space<vmem>>, %arg10: memref<3328xi32, #tpu.memory_space<vmem>>, %arg11: memref<3328xf32, #tpu.memory_space<vmem>>, %arg12: memref<!tpu.dma_semaphore, #tpu.memory_space<semaphore_mem>>, %arg13: memref<!tpu.dma_semaphore, #tpu.memory_space<semaphore_mem>>, %arg14: memref<!tpu.dma_semaphore, #tpu.memory_space<semaphore_mem>>, %arg15: memref<!tpu.dma_semaphore, #tpu.memory_space<semaphore_mem>>) attributes {dimension_semantics = [#tpu.dimension_semantics<core_parallel>, #tpu.dimension_semantics<subcore_parallel>], iteration_bounds = array<i64: 2, 16>, scalar_prefetch = 0 : i64, scratch_operands = 8 : i64, tpu.core_type = #tpu.core_type<sc_vector_subcore>, window_params = [{transform_indices = #map}, {transform_indices = #map}, {transform_indices = #map1}, {transform_indices = #map1}, {transform_indices = #map1}, {transform_indices = #map1}]} {
    %mul3A = arith.constant 2 : i32
    %mul3A_0 = arith.muli %arg1, %mul3A : i32
    %add3A = arith.addi %mul3A_0, %arg0 : i32
    %dma_start3A = arith.constant 0 : i32
    %dma_start3A_1 = tpu.memref_slice %arg8[%dma_start3A] : memref<53248xi32, #tpu.memory_space<vmem>> -> memref<13312xi32, #tpu.memory_space<vmem>>
    %dma_start3A_2 = arith.constant 0 : i32
    %dma_start3A_3 = tpu.memref_slice %arg4[%add3A, %dma_start3A_2] : memref<32x53248xi32, #tpu.memory_space<hbm>> -> memref<1x13312xi32, #tpu.memory_space<hbm>>
    %dma_start3A_4 = tpu.memref_squeeze %dma_start3A_3 : memref<1x13312xi32, #tpu.memory_space<hbm>> -> memref<13312xi32, #tpu.memory_space<hbm>>
    %dma_start3A_5 = arith.constant 0 : i32
    %dma_start3A_6 = tpu.memref_slice %arg8[%dma_start3A_5] : memref<53248xi32, #tpu.memory_space<vmem>> -> memref<13312xi32, #tpu.memory_space<vmem>>
    %dma_start3A_7 = arith.constant 0 : i32
    %dma_start3A_8 = tpu.memref_slice %arg4[%add3A, %dma_start3A_7] : memref<32x53248xi32, #tpu.memory_space<hbm>> -> memref<1x13312xi32, #tpu.memory_space<hbm>>
    %dma_start3A_9 = tpu.memref_squeeze %dma_start3A_8 : memref<1x13312xi32, #tpu.memory_space<hbm>> -> memref<13312xi32, #tpu.memory_space<hbm>>
    tpu.enqueue_dma source(%dma_start3A_9 : memref<13312xi32, #tpu.memory_space<hbm>>) target(%dma_start3A_6 : memref<13312xi32, #tpu.memory_space<vmem>>) target_semaphore(%arg12 : memref<!tpu.dma_semaphore, #tpu.memory_space<semaphore_mem>>)
    %dma_start3A_10 = arith.constant 13312 : i32
    %dma_start3A_11 = tpu.memref_slice %arg8[%dma_start3A_10] : memref<53248xi32, #tpu.memory_space<vmem>> -> memref<13312xi32, #tpu.memory_space<vmem>>
    %dma_start3A_12 = arith.constant 13312 : i32
    %dma_start3A_13 = tpu.memref_slice %arg4[%add3A, %dma_start3A_12] : memref<32x53248xi32, #tpu.memory_space<hbm>> -> memref<1x13312xi32, #tpu.memory_space<hbm>>
    %dma_start3A_14 = tpu.memref_squeeze %dma_start3A_13 : memref<1x13312xi32, #tpu.memory_space<hbm>> -> memref<13312xi32, #tpu.memory_space<hbm>>
    %dma_start3A_15 = arith.constant 13312 : i32
    %dma_start3A_16 = tpu.memref_slice %arg8[%dma_start3A_15] : memref<53248xi32, #tpu.memory_space<vmem>> -> memref<13312xi32, #tpu.memory_space<vmem>>
    %dma_start3A_17 = arith.constant 13312 : i32
    %dma_start3A_18 = tpu.memref_slice %arg4[%add3A, %dma_start3A_17] : memref<32x53248xi32, #tpu.memory_space<hbm>> -> memref<1x13312xi32, #tpu.memory_space<hbm>>
    %dma_start3A_19 = tpu.memref_squeeze %dma_start3A_18 : memref<1x13312xi32, #tpu.memory_space<hbm>> -> memref<13312xi32, #tpu.memory_space<hbm>>
    tpu.enqueue_dma source(%dma_start3A_19 : memref<13312xi32, #tpu.memory_space<hbm>>) target(%dma_start3A_16 : memref<13312xi32, #tpu.memory_space<vmem>>) target_semaphore(%arg12 : memref<!tpu.dma_semaphore, #tpu.memory_space<semaphore_mem>>)
    %dma_start3A_20 = arith.constant 26624 : i32
    %dma_start3A_21 = tpu.memref_slice %arg8[%dma_start3A_20] : memref<53248xi32, #tpu.memory_space<vmem>> -> memref<13312xi32, #tpu.memory_space<vmem>>
    %dma_start3A_22 = arith.constant 26624 : i32
    %dma_start3A_23 = tpu.memref_slice %arg4[%add3A, %dma_start3A_22] : memref<32x53248xi32, #tpu.memory_space<hbm>> -> memref<1x13312xi32, #tpu.memory_space<hbm>>
    %dma_start3A_24 = tpu.memref_squeeze %dma_start3A_23 : memref<1x13312xi32, #tpu.memory_space<hbm>> -> memref<13312xi32, #tpu.memory_space<hbm>>
    %dma_start3A_25 = arith.constant 26624 : i32
    %dma_start3A_26 = tpu.memref_slice %arg8[%dma_start3A_25] : memref<53248xi32, #tpu.memory_space<vmem>> -> memref<13312xi32, #tpu.memory_space<vmem>>
    %dma_start3A_27 = arith.constant 26624 : i32
    %dma_start3A_28 = tpu.memref_slice %arg4[%add3A, %dma_start3A_27] : memref<32x53248xi32, #tpu.memory_space<hbm>> -> memref<1x13312xi32, #tpu.memory_space<hbm>>
    %dma_start3A_29 = tpu.memref_squeeze %dma_start3A_28 : memref<1x13312xi32, #tpu.memory_space<hbm>> -> memref<13312xi32, #tpu.memory_space<hbm>>
    tpu.enqueue_dma source(%dma_start3A_29 : memref<13312xi32, #tpu.memory_space<hbm>>) target(%dma_start3A_26 : memref<13312xi32, #tpu.memory_space<vmem>>) target_semaphore(%arg12 : memref<!tpu.dma_semaphore, #tpu.memory_space<semaphore_mem>>)
    %dma_start3A_30 = arith.constant 39936 : i32
    %dma_start3A_31 = tpu.memref_slice %arg8[%dma_start3A_30] : memref<53248xi32, #tpu.memory_space<vmem>> -> memref<13312xi32, #tpu.memory_space<vmem>>
    %dma_start3A_32 = arith.constant 39936 : i32
    %dma_start3A_33 = tpu.memref_slice %arg4[%add3A, %dma_start3A_32] : memref<32x53248xi32, #tpu.memory_space<hbm>> -> memref<1x13312xi32, #tpu.memory_space<hbm>>
    %dma_start3A_34 = tpu.memref_squeeze %dma_start3A_33 : memref<1x13312xi32, #tpu.memory_space<hbm>> -> memref<13312xi32, #tpu.memory_space<hbm>>
    %dma_start3A_35 = arith.constant 39936 : i32
    %dma_start3A_36 = tpu.memref_slice %arg8[%dma_start3A_35] : memref<53248xi32, #tpu.memory_space<vmem>> -> memref<13312xi32, #tpu.memory_space<vmem>>
    %dma_start3A_37 = arith.constant 39936 : i32
    %dma_start3A_38 = tpu.memref_slice %arg4[%add3A, %dma_start3A_37] : memref<32x53248xi32, #tpu.memory_space<hbm>> -> memref<1x13312xi32, #tpu.memory_space<hbm>>
    %dma_start3A_39 = tpu.memref_squeeze %dma_start3A_38 : memref<1x13312xi32, #tpu.memory_space<hbm>> -> memref<13312xi32, #tpu.memory_space<hbm>>
    tpu.enqueue_dma source(%dma_start3A_39 : memref<13312xi32, #tpu.memory_space<hbm>>) target(%dma_start3A_36 : memref<13312xi32, #tpu.memory_space<vmem>>) target_semaphore(%arg12 : memref<!tpu.dma_semaphore, #tpu.memory_space<semaphore_mem>>)
    %dma_start3A_40 = arith.constant 0 : i32
    %dma_start3A_41 = tpu.memref_slice %arg5[%add3A, %dma_start3A_40] : memref<32x3328xi32, #tpu.memory_space<hbm>> -> memref<1x3328xi32, #tpu.memory_space<hbm>>
    %dma_start3A_42 = tpu.memref_squeeze %dma_start3A_41 : memref<1x3328xi32, #tpu.memory_space<hbm>> -> memref<3328xi32, #tpu.memory_space<hbm>>
    %dma_start3A_43 = arith.constant 0 : i32
    %dma_start3A_44 = tpu.memref_slice %arg5[%add3A, %dma_start3A_43] : memref<32x3328xi32, #tpu.memory_space<hbm>> -> memref<1x3328xi32, #tpu.memory_space<hbm>>
    %dma_start3A_45 = tpu.memref_squeeze %dma_start3A_44 : memref<1x3328xi32, #tpu.memory_space<hbm>> -> memref<3328xi32, #tpu.memory_space<hbm>>
    tpu.enqueue_dma source(%dma_start3A_45 : memref<3328xi32, #tpu.memory_space<hbm>>) target(%arg10 : memref<3328xi32, #tpu.memory_space<vmem>>) target_semaphore(%arg14 : memref<!tpu.dma_semaphore, #tpu.memory_space<semaphore_mem>>)
    %dma_wait3A = arith.constant 0 : i32
    %dma_wait3A_46 = tpu.memref_slice %arg5[%add3A, %dma_wait3A] : memref<32x3328xi32, #tpu.memory_space<hbm>> -> memref<1x3328xi32, #tpu.memory_space<hbm>>
    %dma_wait3A_47 = tpu.memref_squeeze %dma_wait3A_46 : memref<1x3328xi32, #tpu.memory_space<hbm>> -> memref<3328xi32, #tpu.memory_space<hbm>>
    %dma_wait3A_48 = arith.constant 0 : i32
    %dma_wait3A_49 = tpu.memref_slice %arg5[%add3A, %dma_wait3A_48] : memref<32x3328xi32, #tpu.memory_space<hbm>> -> memref<1x3328xi32, #tpu.memory_space<hbm>>
    %dma_wait3A_50 = tpu.memref_squeeze %dma_wait3A_49 : memref<1x3328xi32, #tpu.memory_space<hbm>> -> memref<3328xi32, #tpu.memory_space<hbm>>
    tpu.wait_dma2 semaphore(%arg14 : memref<!tpu.dma_semaphore, #tpu.memory_space<semaphore_mem>>) src(%dma_wait3A_50 : memref<3328xi32, #tpu.memory_space<hbm>>) dst(%arg10 : memref<3328xi32, #tpu.memory_space<vmem>>)
    %dma_start3A_51 = arith.constant 0 : i32
    %dma_start3A_52 = tpu.memref_slice %arg3[%dma_start3A_51] : memref<2600000xf32, #tpu.memory_space<hbm>> -> memref<2600000xf32, #tpu.memory_space<hbm>>
    tpu.enqueue_indirect_dma source(%dma_start3A_52 : memref<2600000xf32, #tpu.memory_space<hbm>>) target(%arg11 : memref<3328xf32, #tpu.memory_space<vmem>>) offsets(%arg10 : memref<3328xi32, #tpu.memory_space<vmem>>) semaphore(%arg14 : memref<!tpu.dma_semaphore, #tpu.memory_space<semaphore_mem>>)
    %dma_wait3A_53 = arith.constant 0 : i32
    %dma_wait3A_54 = tpu.memref_slice %arg8[%dma_wait3A_53] : memref<53248xi32, #tpu.memory_space<vmem>> -> memref<13312xi32, #tpu.memory_space<vmem>>
    %dma_wait3A_55 = arith.constant 0 : i32
    %dma_wait3A_56 = tpu.memref_slice %arg4[%add3A, %dma_wait3A_55] : memref<32x53248xi32, #tpu.memory_space<hbm>> -> memref<1x13312xi32, #tpu.memory_space<hbm>>
    %dma_wait3A_57 = tpu.memref_squeeze %dma_wait3A_56 : memref<1x13312xi32, #tpu.memory_space<hbm>> -> memref<13312xi32, #tpu.memory_space<hbm>>
    %dma_wait3A_58 = arith.constant 0 : i32
    %dma_wait3A_59 = tpu.memref_slice %arg8[%dma_wait3A_58] : memref<53248xi32, #tpu.memory_space<vmem>> -> memref<13312xi32, #tpu.memory_space<vmem>>
    %dma_wait3A_60 = arith.constant 0 : i32
    %dma_wait3A_61 = tpu.memref_slice %arg4[%add3A, %dma_wait3A_60] : memref<32x53248xi32, #tpu.memory_space<hbm>> -> memref<1x13312xi32, #tpu.memory_space<hbm>>
    %dma_wait3A_62 = tpu.memref_squeeze %dma_wait3A_61 : memref<1x13312xi32, #tpu.memory_space<hbm>> -> memref<13312xi32, #tpu.memory_space<hbm>>
    tpu.wait_dma2 semaphore(%arg12 : memref<!tpu.dma_semaphore, #tpu.memory_space<semaphore_mem>>) src(%dma_wait3A_62 : memref<13312xi32, #tpu.memory_space<hbm>>) dst(%dma_wait3A_59 : memref<13312xi32, #tpu.memory_space<vmem>>)
    %dma_wait3A_63 = arith.constant 13312 : i32
    %dma_wait3A_64 = tpu.memref_slice %arg8[%dma_wait3A_63] : memref<53248xi32, #tpu.memory_space<vmem>> -> memref<13312xi32, #tpu.memory_space<vmem>>
    %dma_wait3A_65 = arith.constant 13312 : i32
    %dma_wait3A_66 = tpu.memref_slice %arg4[%add3A, %dma_wait3A_65] : memref<32x53248xi32, #tpu.memory_space<hbm>> -> memref<1x13312xi32, #tpu.memory_space<hbm>>
    %dma_wait3A_67 = tpu.memref_squeeze %dma_wait3A_66 : memref<1x13312xi32, #tpu.memory_space<hbm>> -> memref<13312xi32, #tpu.memory_space<hbm>>
    %dma_wait3A_68 = arith.constant 13312 : i32
    %dma_wait3A_69 = tpu.memref_slice %arg8[%dma_wait3A_68] : memref<53248xi32, #tpu.memory_space<vmem>> -> memref<13312xi32, #tpu.memory_space<vmem>>
    %dma_wait3A_70 = arith.constant 13312 : i32
    %dma_wait3A_71 = tpu.memref_slice %arg4[%add3A, %dma_wait3A_70] : memref<32x53248xi32, #tpu.memory_space<hbm>> -> memref<1x13312xi32, #tpu.memory_space<hbm>>
    %dma_wait3A_72 = tpu.memref_squeeze %dma_wait3A_71 : memref<1x13312xi32, #tpu.memory_space<hbm>> -> memref<13312xi32, #tpu.memory_space<hbm>>
    tpu.wait_dma2 semaphore(%arg12 : memref<!tpu.dma_semaphore, #tpu.memory_space<semaphore_mem>>) src(%dma_wait3A_72 : memref<13312xi32, #tpu.memory_space<hbm>>) dst(%dma_wait3A_69 : memref<13312xi32, #tpu.memory_space<vmem>>)
    %dma_wait3A_73 = arith.constant 26624 : i32
    %dma_wait3A_74 = tpu.memref_slice %arg8[%dma_wait3A_73] : memref<53248xi32, #tpu.memory_space<vmem>> -> memref<13312xi32, #tpu.memory_space<vmem>>
    %dma_wait3A_75 = arith.constant 26624 : i32
    %dma_wait3A_76 = tpu.memref_slice %arg4[%add3A, %dma_wait3A_75] : memref<32x53248xi32, #tpu.memory_space<hbm>> -> memref<1x13312xi32, #tpu.memory_space<hbm>>
    %dma_wait3A_77 = tpu.memref_squeeze %dma_wait3A_76 : memref<1x13312xi32, #tpu.memory_space<hbm>> -> memref<13312xi32, #tpu.memory_space<hbm>>
    %dma_wait3A_78 = arith.constant 26624 : i32
    %dma_wait3A_79 = tpu.memref_slice %arg8[%dma_wait3A_78] : memref<53248xi32, #tpu.memory_space<vmem>> -> memref<13312xi32, #tpu.memory_space<vmem>>
    %dma_wait3A_80 = arith.constant 26624 : i32
    %dma_wait3A_81 = tpu.memref_slice %arg4[%add3A, %dma_wait3A_80] : memref<32x53248xi32, #tpu.memory_space<hbm>> -> memref<1x13312xi32, #tpu.memory_space<hbm>>
    %dma_wait3A_82 = tpu.memref_squeeze %dma_wait3A_81 : memref<1x13312xi32, #tpu.memory_space<hbm>> -> memref<13312xi32, #tpu.memory_space<hbm>>
    tpu.wait_dma2 semaphore(%arg12 : memref<!tpu.dma_semaphore, #tpu.memory_space<semaphore_mem>>) src(%dma_wait3A_82 : memref<13312xi32, #tpu.memory_space<hbm>>) dst(%dma_wait3A_79 : memref<13312xi32, #tpu.memory_space<vmem>>)
    %dma_wait3A_83 = arith.constant 39936 : i32
    %dma_wait3A_84 = tpu.memref_slice %arg8[%dma_wait3A_83] : memref<53248xi32, #tpu.memory_space<vmem>> -> memref<13312xi32, #tpu.memory_space<vmem>>
    %dma_wait3A_85 = arith.constant 39936 : i32
    %dma_wait3A_86 = tpu.memref_slice %arg4[%add3A, %dma_wait3A_85] : memref<32x53248xi32, #tpu.memory_space<hbm>> -> memref<1x13312xi32, #tpu.memory_space<hbm>>
    %dma_wait3A_87 = tpu.memref_squeeze %dma_wait3A_86 : memref<1x13312xi32, #tpu.memory_space<hbm>> -> memref<13312xi32, #tpu.memory_space<hbm>>
    %dma_wait3A_88 = arith.constant 39936 : i32
    %dma_wait3A_89 = tpu.memref_slice %arg8[%dma_wait3A_88] : memref<53248xi32, #tpu.memory_space<vmem>> -> memref<13312xi32, #tpu.memory_space<vmem>>
    %dma_wait3A_90 = arith.constant 39936 : i32
    %dma_wait3A_91 = tpu.memref_slice %arg4[%add3A, %dma_wait3A_90] : memref<32x53248xi32, #tpu.memory_space<hbm>> -> memref<1x13312xi32, #tpu.memory_space<hbm>>
    %dma_wait3A_92 = tpu.memref_squeeze %dma_wait3A_91 : memref<1x13312xi32, #tpu.memory_space<hbm>> -> memref<13312xi32, #tpu.memory_space<hbm>>
    tpu.wait_dma2 semaphore(%arg12 : memref<!tpu.dma_semaphore, #tpu.memory_space<semaphore_mem>>) src(%dma_wait3A_92 : memref<13312xi32, #tpu.memory_space<hbm>>) dst(%dma_wait3A_89 : memref<13312xi32, #tpu.memory_space<vmem>>)
    %dma_start3A_93 = arith.constant 0 : i32
    %dma_start3A_94 = tpu.memref_slice %arg9[%dma_start3A_93] : memref<53248xf32, #tpu.memory_space<vmem>> -> memref<3328xf32, #tpu.memory_space<vmem>>
    %dma_start3A_95 = arith.constant 0 : i32
    %dma_start3A_96 = tpu.memref_slice %arg8[%dma_start3A_95] : memref<53248xi32, #tpu.memory_space<vmem>> -> memref<3328xi32, #tpu.memory_space<vmem>>
    %dma_start3A_97 = arith.constant 0 : i32
    %dma_start3A_98 = tpu.memref_slice %arg2[%dma_start3A_97] : memref<41600000xf32, #tpu.memory_space<hbm>> -> memref<41600000xf32, #tpu.memory_space<hbm>>
    tpu.enqueue_indirect_dma source(%dma_start3A_98 : memref<41600000xf32, #tpu.memory_space<hbm>>) target(%dma_start3A_94 : memref<3328xf32, #tpu.memory_space<vmem>>) offsets(%dma_start3A_96 : memref<3328xi32, #tpu.memory_space<vmem>>) semaphore(%arg13 : memref<!tpu.dma_semaphore, #tpu.memory_space<semaphore_mem>>)
    %dma_start3A_99 = arith.constant 3328 : i32
    %dma_start3A_100 = tpu.memref_slice %arg9[%dma_start3A_99] : memref<53248xf32, #tpu.memory_space<vmem>> -> memref<3328xf32, #tpu.memory_space<vmem>>
    %dma_start3A_101 = arith.constant 3328 : i32
    %dma_start3A_102 = tpu.memref_slice %arg8[%dma_start3A_101] : memref<53248xi32, #tpu.memory_space<vmem>> -> memref<3328xi32, #tpu.memory_space<vmem>>
    %dma_start3A_103 = arith.constant 0 : i32
    %dma_start3A_104 = tpu.memref_slice %arg2[%dma_start3A_103] : memref<41600000xf32, #tpu.memory_space<hbm>> -> memref<41600000xf32, #tpu.memory_space<hbm>>
    tpu.enqueue_indirect_dma source(%dma_start3A_104 : memref<41600000xf32, #tpu.memory_space<hbm>>) target(%dma_start3A_100 : memref<3328xf32, #tpu.memory_space<vmem>>) offsets(%dma_start3A_102 : memref<3328xi32, #tpu.memory_space<vmem>>) semaphore(%arg13 : memref<!tpu.dma_semaphore, #tpu.memory_space<semaphore_mem>>)
    %dma_start3A_105 = arith.constant 6656 : i32
    %dma_start3A_106 = tpu.memref_slice %arg9[%dma_start3A_105] : memref<53248xf32, #tpu.memory_space<vmem>> -> memref<3328xf32, #tpu.memory_space<vmem>>
    %dma_start3A_107 = arith.constant 6656 : i32
    %dma_start3A_108 = tpu.memref_slice %arg8[%dma_start3A_107] : memref<53248xi32, #tpu.memory_space<vmem>> -> memref<3328xi32, #tpu.memory_space<vmem>>
    %dma_start3A_109 = arith.constant 0 : i32
    %dma_start3A_110 = tpu.memref_slice %arg2[%dma_start3A_109] : memref<41600000xf32, #tpu.memory_space<hbm>> -> memref<41600000xf32, #tpu.memory_space<hbm>>
    tpu.enqueue_indirect_dma source(%dma_start3A_110 : memref<41600000xf32, #tpu.memory_space<hbm>>) target(%dma_start3A_106 : memref<3328xf32, #tpu.memory_space<vmem>>) offsets(%dma_start3A_108 : memref<3328xi32, #tpu.memory_space<vmem>>) semaphore(%arg13 : memref<!tpu.dma_semaphore, #tpu.memory_space<semaphore_mem>>)
    %dma_start3A_111 = arith.constant 9984 : i32
    %dma_start3A_112 = tpu.memref_slice %arg9[%dma_start3A_111] : memref<53248xf32, #tpu.memory_space<vmem>> -> memref<3328xf32, #tpu.memory_space<vmem>>
    %dma_start3A_113 = arith.constant 9984 : i32
    %dma_start3A_114 = tpu.memref_slice %arg8[%dma_start3A_113] : memref<53248xi32, #tpu.memory_space<vmem>> -> memref<3328xi32, #tpu.memory_space<vmem>>
    %dma_start3A_115 = arith.constant 0 : i32
    %dma_start3A_116 = tpu.memref_slice %arg2[%dma_start3A_115] : memref<41600000xf32, #tpu.memory_space<hbm>> -> memref<41600000xf32, #tpu.memory_space<hbm>>
    tpu.enqueue_indirect_dma source(%dma_start3A_116 : memref<41600000xf32, #tpu.memory_space<hbm>>) target(%dma_start3A_112 : memref<3328xf32, #tpu.memory_space<vmem>>) offsets(%dma_start3A_114 : memref<3328xi32, #tpu.memory_space<vmem>>) semaphore(%arg13 : memref<!tpu.dma_semaphore, #tpu.memory_space<semaphore_mem>>)
    %dma_start3A_117 = arith.constant 13312 : i32
    %dma_start3A_118 = tpu.memref_slice %arg9[%dma_start3A_117] : memref<53248xf32, #tpu.memory_space<vmem>> -> memref<3328xf32, #tpu.memory_space<vmem>>
    %dma_start3A_119 = arith.constant 13312 : i32
    %dma_start3A_120 = tpu.memref_slice %arg8[%dma_start3A_119] : memref<53248xi32, #tpu.memory_space<vmem>> -> memref<3328xi32, #tpu.memory_space<vmem>>
    %dma_start3A_121 = arith.constant 0 : i32
    %dma_start3A_122 = tpu.memref_slice %arg2[%dma_start3A_121] : memref<41600000xf32, #tpu.memory_space<hbm>> -> memref<41600000xf32, #tpu.memory_space<hbm>>
    tpu.enqueue_indirect_dma source(%dma_start3A_122 : memref<41600000xf32, #tpu.memory_space<hbm>>) target(%dma_start3A_118 : memref<3328xf32, #tpu.memory_space<vmem>>) offsets(%dma_start3A_120 : memref<3328xi32, #tpu.memory_space<vmem>>) semaphore(%arg13 : memref<!tpu.dma_semaphore, #tpu.memory_space<semaphore_mem>>)
    %dma_start3A_123 = arith.constant 16640 : i32
    %dma_start3A_124 = tpu.memref_slice %arg9[%dma_start3A_123] : memref<53248xf32, #tpu.memory_space<vmem>> -> memref<3328xf32, #tpu.memory_space<vmem>>
    %dma_start3A_125 = arith.constant 16640 : i32
    %dma_start3A_126 = tpu.memref_slice %arg8[%dma_start3A_125] : memref<53248xi32, #tpu.memory_space<vmem>> -> memref<3328xi32, #tpu.memory_space<vmem>>
    %dma_start3A_127 = arith.constant 0 : i32
    %dma_start3A_128 = tpu.memref_slice %arg2[%dma_start3A_127] : memref<41600000xf32, #tpu.memory_space<hbm>> -> memref<41600000xf32, #tpu.memory_space<hbm>>
    tpu.enqueue_indirect_dma source(%dma_start3A_128 : memref<41600000xf32, #tpu.memory_space<hbm>>) target(%dma_start3A_124 : memref<3328xf32, #tpu.memory_space<vmem>>) offsets(%dma_start3A_126 : memref<3328xi32, #tpu.memory_space<vmem>>) semaphore(%arg13 : memref<!tpu.dma_semaphore, #tpu.memory_space<semaphore_mem>>)
    %dma_start3A_129 = arith.constant 19968 : i32
    %dma_start3A_130 = tpu.memref_slice %arg9[%dma_start3A_129] : memref<53248xf32, #tpu.memory_space<vmem>> -> memref<3328xf32, #tpu.memory_space<vmem>>
    %dma_start3A_131 = arith.constant 19968 : i32
    %dma_start3A_132 = tpu.memref_slice %arg8[%dma_start3A_131] : memref<53248xi32, #tpu.memory_space<vmem>> -> memref<3328xi32, #tpu.memory_space<vmem>>
    %dma_start3A_133 = arith.constant 0 : i32
    %dma_start3A_134 = tpu.memref_slice %arg2[%dma_start3A_133] : memref<41600000xf32, #tpu.memory_space<hbm>> -> memref<41600000xf32, #tpu.memory_space<hbm>>
    tpu.enqueue_indirect_dma source(%dma_start3A_134 : memref<41600000xf32, #tpu.memory_space<hbm>>) target(%dma_start3A_130 : memref<3328xf32, #tpu.memory_space<vmem>>) offsets(%dma_start3A_132 : memref<3328xi32, #tpu.memory_space<vmem>>) semaphore(%arg13 : memref<!tpu.dma_semaphore, #tpu.memory_space<semaphore_mem>>)
    %dma_start3A_135 = arith.constant 23296 : i32
    %dma_start3A_136 = tpu.memref_slice %arg9[%dma_start3A_135] : memref<53248xf32, #tpu.memory_space<vmem>> -> memref<3328xf32, #tpu.memory_space<vmem>>
    %dma_start3A_137 = arith.constant 23296 : i32
    %dma_start3A_138 = tpu.memref_slice %arg8[%dma_start3A_137] : memref<53248xi32, #tpu.memory_space<vmem>> -> memref<3328xi32, #tpu.memory_space<vmem>>
    %dma_start3A_139 = arith.constant 0 : i32
    %dma_start3A_140 = tpu.memref_slice %arg2[%dma_start3A_139] : memref<41600000xf32, #tpu.memory_space<hbm>> -> memref<41600000xf32, #tpu.memory_space<hbm>>
    tpu.enqueue_indirect_dma source(%dma_start3A_140 : memref<41600000xf32, #tpu.memory_space<hbm>>) target(%dma_start3A_136 : memref<3328xf32, #tpu.memory_space<vmem>>) offsets(%dma_start3A_138 : memref<3328xi32, #tpu.memory_space<vmem>>) semaphore(%arg13 : memref<!tpu.dma_semaphore, #tpu.memory_space<semaphore_mem>>)
    %dma_start3A_141 = arith.constant 26624 : i32
    %dma_start3A_142 = tpu.memref_slice %arg9[%dma_start3A_141] : memref<53248xf32, #tpu.memory_space<vmem>> -> memref<3328xf32, #tpu.memory_space<vmem>>
    %dma_start3A_143 = arith.constant 26624 : i32
    %dma_start3A_144 = tpu.memref_slice %arg8[%dma_start3A_143] : memref<53248xi32, #tpu.memory_space<vmem>> -> memref<3328xi32, #tpu.memory_space<vmem>>
    %dma_start3A_145 = arith.constant 0 : i32
    %dma_start3A_146 = tpu.memref_slice %arg2[%dma_start3A_145] : memref<41600000xf32, #tpu.memory_space<hbm>> -> memref<41600000xf32, #tpu.memory_space<hbm>>
    tpu.enqueue_indirect_dma source(%dma_start3A_146 : memref<41600000xf32, #tpu.memory_space<hbm>>) target(%dma_start3A_142 : memref<3328xf32, #tpu.memory_space<vmem>>) offsets(%dma_start3A_144 : memref<3328xi32, #tpu.memory_space<vmem>>) semaphore(%arg12 : memref<!tpu.dma_semaphore, #tpu.memory_space<semaphore_mem>>)
    %dma_start3A_147 = arith.constant 29952 : i32
    %dma_start3A_148 = tpu.memref_slice %arg9[%dma_start3A_147] : memref<53248xf32, #tpu.memory_space<vmem>> -> memref<3328xf32, #tpu.memory_space<vmem>>
    %dma_start3A_149 = arith.constant 29952 : i32
    %dma_start3A_150 = tpu.memref_slice %arg8[%dma_start3A_149] : memref<53248xi32, #tpu.memory_space<vmem>> -> memref<3328xi32, #tpu.memory_space<vmem>>
    %dma_start3A_151 = arith.constant 0 : i32
    %dma_start3A_152 = tpu.memref_slice %arg2[%dma_start3A_151] : memref<41600000xf32, #tpu.memory_space<hbm>> -> memref<41600000xf32, #tpu.memory_space<hbm>>
    tpu.enqueue_indirect_dma source(%dma_start3A_152 : memref<41600000xf32, #tpu.memory_space<hbm>>) target(%dma_start3A_148 : memref<3328xf32, #tpu.memory_space<vmem>>) offsets(%dma_start3A_150 : memref<3328xi32, #tpu.memory_space<vmem>>) semaphore(%arg12 : memref<!tpu.dma_semaphore, #tpu.memory_space<semaphore_mem>>)
    %dma_start3A_153 = arith.constant 33280 : i32
    %dma_start3A_154 = tpu.memref_slice %arg9[%dma_start3A_153] : memref<53248xf32, #tpu.memory_space<vmem>> -> memref<3328xf32, #tpu.memory_space<vmem>>
    %dma_start3A_155 = arith.constant 33280 : i32
    %dma_start3A_156 = tpu.memref_slice %arg8[%dma_start3A_155] : memref<53248xi32, #tpu.memory_space<vmem>> -> memref<3328xi32, #tpu.memory_space<vmem>>
    %dma_start3A_157 = arith.constant 0 : i32
    %dma_start3A_158 = tpu.memref_slice %arg2[%dma_start3A_157] : memref<41600000xf32, #tpu.memory_space<hbm>> -> memref<41600000xf32, #tpu.memory_space<hbm>>
    tpu.enqueue_indirect_dma source(%dma_start3A_158 : memref<41600000xf32, #tpu.memory_space<hbm>>) target(%dma_start3A_154 : memref<3328xf32, #tpu.memory_space<vmem>>) offsets(%dma_start3A_156 : memref<3328xi32, #tpu.memory_space<vmem>>) semaphore(%arg12 : memref<!tpu.dma_semaphore, #tpu.memory_space<semaphore_mem>>)
    %dma_start3A_159 = arith.constant 36608 : i32
    %dma_start3A_160 = tpu.memref_slice %arg9[%dma_start3A_159] : memref<53248xf32, #tpu.memory_space<vmem>> -> memref<3328xf32, #tpu.memory_space<vmem>>
    %dma_start3A_161 = arith.constant 36608 : i32
    %dma_start3A_162 = tpu.memref_slice %arg8[%dma_start3A_161] : memref<53248xi32, #tpu.memory_space<vmem>> -> memref<3328xi32, #tpu.memory_space<vmem>>
    %dma_start3A_163 = arith.constant 0 : i32
    %dma_start3A_164 = tpu.memref_slice %arg2[%dma_start3A_163] : memref<41600000xf32, #tpu.memory_space<hbm>> -> memref<41600000xf32, #tpu.memory_space<hbm>>
    tpu.enqueue_indirect_dma source(%dma_start3A_164 : memref<41600000xf32, #tpu.memory_space<hbm>>) target(%dma_start3A_160 : memref<3328xf32, #tpu.memory_space<vmem>>) offsets(%dma_start3A_162 : memref<3328xi32, #tpu.memory_space<vmem>>) semaphore(%arg12 : memref<!tpu.dma_semaphore, #tpu.memory_space<semaphore_mem>>)
    %dma_start3A_165 = arith.constant 39936 : i32
    %dma_start3A_166 = tpu.memref_slice %arg9[%dma_start3A_165] : memref<53248xf32, #tpu.memory_space<vmem>> -> memref<3328xf32, #tpu.memory_space<vmem>>
    %dma_start3A_167 = arith.constant 39936 : i32
    %dma_start3A_168 = tpu.memref_slice %arg8[%dma_start3A_167] : memref<53248xi32, #tpu.memory_space<vmem>> -> memref<3328xi32, #tpu.memory_space<vmem>>
    %dma_start3A_169 = arith.constant 0 : i32
    %dma_start3A_170 = tpu.memref_slice %arg2[%dma_start3A_169] : memref<41600000xf32, #tpu.memory_space<hbm>> -> memref<41600000xf32, #tpu.memory_space<hbm>>
    tpu.enqueue_indirect_dma source(%dma_start3A_170 : memref<41600000xf32, #tpu.memory_space<hbm>>) target(%dma_start3A_166 : memref<3328xf32, #tpu.memory_space<vmem>>) offsets(%dma_start3A_168 : memref<3328xi32, #tpu.memory_space<vmem>>) semaphore(%arg12 : memref<!tpu.dma_semaphore, #tpu.memory_space<semaphore_mem>>)
    %dma_start3A_171 = arith.constant 43264 : i32
    %dma_start3A_172 = tpu.memref_slice %arg9[%dma_start3A_171] : memref<53248xf32, #tpu.memory_space<vmem>> -> memref<3328xf32, #tpu.memory_space<vmem>>
    %dma_start3A_173 = arith.constant 43264 : i32
    %dma_start3A_174 = tpu.memref_slice %arg8[%dma_start3A_173] : memref<53248xi32, #tpu.memory_space<vmem>> -> memref<3328xi32, #tpu.memory_space<vmem>>
    %dma_start3A_175 = arith.constant 0 : i32
    %dma_start3A_176 = tpu.memref_slice %arg2[%dma_start3A_175] : memref<41600000xf32, #tpu.memory_space<hbm>> -> memref<41600000xf32, #tpu.memory_space<hbm>>
    tpu.enqueue_indirect_dma source(%dma_start3A_176 : memref<41600000xf32, #tpu.memory_space<hbm>>) target(%dma_start3A_172 : memref<3328xf32, #tpu.memory_space<vmem>>) offsets(%dma_start3A_174 : memref<3328xi32, #tpu.memory_space<vmem>>) semaphore(%arg12 : memref<!tpu.dma_semaphore, #tpu.memory_space<semaphore_mem>>)
    %dma_start3A_177 = arith.constant 46592 : i32
    %dma_start3A_178 = tpu.memref_slice %arg9[%dma_start3A_177] : memref<53248xf32, #tpu.memory_space<vmem>> -> memref<3328xf32, #tpu.memory_space<vmem>>
    %dma_start3A_179 = arith.constant 46592 : i32
    %dma_start3A_180 = tpu.memref_slice %arg8[%dma_start3A_179] : memref<53248xi32, #tpu.memory_space<vmem>> -> memref<3328xi32, #tpu.memory_space<vmem>>
    %dma_start3A_181 = arith.constant 0 : i32
    %dma_start3A_182 = tpu.memref_slice %arg2[%dma_start3A_181] : memref<41600000xf32, #tpu.memory_space<hbm>> -> memref<41600000xf32, #tpu.memory_space<hbm>>
    tpu.enqueue_indirect_dma source(%dma_start3A_182 : memref<41600000xf32, #tpu.memory_space<hbm>>) target(%dma_start3A_178 : memref<3328xf32, #tpu.memory_space<vmem>>) offsets(%dma_start3A_180 : memref<3328xi32, #tpu.memory_space<vmem>>) semaphore(%arg12 : memref<!tpu.dma_semaphore, #tpu.memory_space<semaphore_mem>>)
    %dma_start3A_183 = arith.constant 49920 : i32
    %dma_start3A_184 = tpu.memref_slice %arg9[%dma_start3A_183] : memref<53248xf32, #tpu.memory_space<vmem>> -> memref<3328xf32, #tpu.memory_space<vmem>>
    %dma_start3A_185 = arith.constant 49920 : i32
    %dma_start3A_186 = tpu.memref_slice %arg8[%dma_start3A_185] : memref<53248xi32, #tpu.memory_space<vmem>> -> memref<3328xi32, #tpu.memory_space<vmem>>
    %dma_start3A_187 = arith.constant 0 : i32
    %dma_start3A_188 = tpu.memref_slice %arg2[%dma_start3A_187] : memref<41600000xf32, #tpu.memory_space<hbm>> -> memref<41600000xf32, #tpu.memory_space<hbm>>
    tpu.enqueue_indirect_dma source(%dma_start3A_188 : memref<41600000xf32, #tpu.memory_space<hbm>>) target(%dma_start3A_184 : memref<3328xf32, #tpu.memory_space<vmem>>) offsets(%dma_start3A_186 : memref<3328xi32, #tpu.memory_space<vmem>>) semaphore(%arg12 : memref<!tpu.dma_semaphore, #tpu.memory_space<semaphore_mem>>)
    %dma_wait3A_189 = arith.constant 0 : i32
    %dma_wait3A_190 = tpu.memref_slice %arg9[%dma_wait3A_189] : memref<53248xf32, #tpu.memory_space<vmem>> -> memref<3328xf32, #tpu.memory_space<vmem>>
    %dma_wait3A_191 = arith.constant 0 : i32
    %dma_wait3A_192 = tpu.memref_slice %arg8[%dma_wait3A_191] : memref<53248xi32, #tpu.memory_space<vmem>> -> memref<3328xi32, #tpu.memory_space<vmem>>
    %dma_wait3A_193 = arith.constant 0 : i32
    %dma_wait3A_194 = tpu.memref_slice %arg2[%dma_wait3A_193] : memref<41600000xf32, #tpu.memory_space<hbm>> -> memref<41600000xf32, #tpu.memory_space<hbm>>
    tpu.wait_indirect_dma semaphore(%arg13 : memref<!tpu.dma_semaphore, #tpu.memory_space<semaphore_mem>>) src(%dma_wait3A_194 : memref<41600000xf32, #tpu.memory_space<hbm>>) dst(%dma_wait3A_190 : memref<3328xf32, #tpu.memory_space<vmem>>)
    %dma_wait3A_195 = arith.constant 3328 : i32
    %dma_wait3A_196 = tpu.memref_slice %arg9[%dma_wait3A_195] : memref<53248xf32, #tpu.memory_space<vmem>> -> memref<3328xf32, #tpu.memory_space<vmem>>
    %dma_wait3A_197 = arith.constant 3328 : i32
    %dma_wait3A_198 = tpu.memref_slice %arg8[%dma_wait3A_197] : memref<53248xi32, #tpu.memory_space<vmem>> -> memref<3328xi32, #tpu.memory_space<vmem>>
    %dma_wait3A_199 = arith.constant 0 : i32
    %dma_wait3A_200 = tpu.memref_slice %arg2[%dma_wait3A_199] : memref<41600000xf32, #tpu.memory_space<hbm>> -> memref<41600000xf32, #tpu.memory_space<hbm>>
    tpu.wait_indirect_dma semaphore(%arg13 : memref<!tpu.dma_semaphore, #tpu.memory_space<semaphore_mem>>) src(%dma_wait3A_200 : memref<41600000xf32, #tpu.memory_space<hbm>>) dst(%dma_wait3A_196 : memref<3328xf32, #tpu.memory_space<vmem>>)
    %dma_wait3A_201 = arith.constant 6656 : i32
    %dma_wait3A_202 = tpu.memref_slice %arg9[%dma_wait3A_201] : memref<53248xf32, #tpu.memory_space<vmem>> -> memref<3328xf32, #tpu.memory_space<vmem>>
    %dma_wait3A_203 = arith.constant 6656 : i32
    %dma_wait3A_204 = tpu.memref_slice %arg8[%dma_wait3A_203] : memref<53248xi32, #tpu.memory_space<vmem>> -> memref<3328xi32, #tpu.memory_space<vmem>>
    %dma_wait3A_205 = arith.constant 0 : i32
    %dma_wait3A_206 = tpu.memref_slice %arg2[%dma_wait3A_205] : memref<41600000xf32, #tpu.memory_space<hbm>> -> memref<41600000xf32, #tpu.memory_space<hbm>>
    tpu.wait_indirect_dma semaphore(%arg13 : memref<!tpu.dma_semaphore, #tpu.memory_space<semaphore_mem>>) src(%dma_wait3A_206 : memref<41600000xf32, #tpu.memory_space<hbm>>) dst(%dma_wait3A_202 : memref<3328xf32, #tpu.memory_space<vmem>>)
    %dma_wait3A_207 = arith.constant 9984 : i32
    %dma_wait3A_208 = tpu.memref_slice %arg9[%dma_wait3A_207] : memref<53248xf32, #tpu.memory_space<vmem>> -> memref<3328xf32, #tpu.memory_space<vmem>>
    %dma_wait3A_209 = arith.constant 9984 : i32
    %dma_wait3A_210 = tpu.memref_slice %arg8[%dma_wait3A_209] : memref<53248xi32, #tpu.memory_space<vmem>> -> memref<3328xi32, #tpu.memory_space<vmem>>
    %dma_wait3A_211 = arith.constant 0 : i32
    %dma_wait3A_212 = tpu.memref_slice %arg2[%dma_wait3A_211] : memref<41600000xf32, #tpu.memory_space<hbm>> -> memref<41600000xf32, #tpu.memory_space<hbm>>
    tpu.wait_indirect_dma semaphore(%arg13 : memref<!tpu.dma_semaphore, #tpu.memory_space<semaphore_mem>>) src(%dma_wait3A_212 : memref<41600000xf32, #tpu.memory_space<hbm>>) dst(%dma_wait3A_208 : memref<3328xf32, #tpu.memory_space<vmem>>)
    %dma_wait3A_213 = arith.constant 13312 : i32
    %dma_wait3A_214 = tpu.memref_slice %arg9[%dma_wait3A_213] : memref<53248xf32, #tpu.memory_space<vmem>> -> memref<3328xf32, #tpu.memory_space<vmem>>
    %dma_wait3A_215 = arith.constant 13312 : i32
    %dma_wait3A_216 = tpu.memref_slice %arg8[%dma_wait3A_215] : memref<53248xi32, #tpu.memory_space<vmem>> -> memref<3328xi32, #tpu.memory_space<vmem>>
    %dma_wait3A_217 = arith.constant 0 : i32
    %dma_wait3A_218 = tpu.memref_slice %arg2[%dma_wait3A_217] : memref<41600000xf32, #tpu.memory_space<hbm>> -> memref<41600000xf32, #tpu.memory_space<hbm>>
    tpu.wait_indirect_dma semaphore(%arg13 : memref<!tpu.dma_semaphore, #tpu.memory_space<semaphore_mem>>) src(%dma_wait3A_218 : memref<41600000xf32, #tpu.memory_space<hbm>>) dst(%dma_wait3A_214 : memref<3328xf32, #tpu.memory_space<vmem>>)
    %dma_wait3A_219 = arith.constant 16640 : i32
    %dma_wait3A_220 = tpu.memref_slice %arg9[%dma_wait3A_219] : memref<53248xf32, #tpu.memory_space<vmem>> -> memref<3328xf32, #tpu.memory_space<vmem>>
    %dma_wait3A_221 = arith.constant 16640 : i32
    %dma_wait3A_222 = tpu.memref_slice %arg8[%dma_wait3A_221] : memref<53248xi32, #tpu.memory_space<vmem>> -> memref<3328xi32, #tpu.memory_space<vmem>>
    %dma_wait3A_223 = arith.constant 0 : i32
    %dma_wait3A_224 = tpu.memref_slice %arg2[%dma_wait3A_223] : memref<41600000xf32, #tpu.memory_space<hbm>> -> memref<41600000xf32, #tpu.memory_space<hbm>>
    tpu.wait_indirect_dma semaphore(%arg13 : memref<!tpu.dma_semaphore, #tpu.memory_space<semaphore_mem>>) src(%dma_wait3A_224 : memref<41600000xf32, #tpu.memory_space<hbm>>) dst(%dma_wait3A_220 : memref<3328xf32, #tpu.memory_space<vmem>>)
    %dma_wait3A_225 = arith.constant 19968 : i32
    %dma_wait3A_226 = tpu.memref_slice %arg9[%dma_wait3A_225] : memref<53248xf32, #tpu.memory_space<vmem>> -> memref<3328xf32, #tpu.memory_space<vmem>>
    %dma_wait3A_227 = arith.constant 19968 : i32
    %dma_wait3A_228 = tpu.memref_slice %arg8[%dma_wait3A_227] : memref<53248xi32, #tpu.memory_space<vmem>> -> memref<3328xi32, #tpu.memory_space<vmem>>
    %dma_wait3A_229 = arith.constant 0 : i32
    %dma_wait3A_230 = tpu.memref_slice %arg2[%dma_wait3A_229] : memref<41600000xf32, #tpu.memory_space<hbm>> -> memref<41600000xf32, #tpu.memory_space<hbm>>
    tpu.wait_indirect_dma semaphore(%arg13 : memref<!tpu.dma_semaphore, #tpu.memory_space<semaphore_mem>>) src(%dma_wait3A_230 : memref<41600000xf32, #tpu.memory_space<hbm>>) dst(%dma_wait3A_226 : memref<3328xf32, #tpu.memory_space<vmem>>)
    %dma_wait3A_231 = arith.constant 23296 : i32
    %dma_wait3A_232 = tpu.memref_slice %arg9[%dma_wait3A_231] : memref<53248xf32, #tpu.memory_space<vmem>> -> memref<3328xf32, #tpu.memory_space<vmem>>
    %dma_wait3A_233 = arith.constant 23296 : i32
    %dma_wait3A_234 = tpu.memref_slice %arg8[%dma_wait3A_233] : memref<53248xi32, #tpu.memory_space<vmem>> -> memref<3328xi32, #tpu.memory_space<vmem>>
    %dma_wait3A_235 = arith.constant 0 : i32
    %dma_wait3A_236 = tpu.memref_slice %arg2[%dma_wait3A_235] : memref<41600000xf32, #tpu.memory_space<hbm>> -> memref<41600000xf32, #tpu.memory_space<hbm>>
    tpu.wait_indirect_dma semaphore(%arg13 : memref<!tpu.dma_semaphore, #tpu.memory_space<semaphore_mem>>) src(%dma_wait3A_236 : memref<41600000xf32, #tpu.memory_space<hbm>>) dst(%dma_wait3A_232 : memref<3328xf32, #tpu.memory_space<vmem>>)
    %dma_start3A_237 = arith.constant 0 : i32
    %dma_start3A_238 = tpu.memref_slice %arg9[%dma_start3A_237] : memref<53248xf32, #tpu.memory_space<vmem>> -> memref<3328xf32, #tpu.memory_space<vmem>>
    %dma_start3A_239 = arith.constant 0 : i32
    %dma_start3A_240 = tpu.memref_slice %arg6[%add3A, %dma_start3A_239] : memref<32x53248xf32, #tpu.memory_space<hbm>> -> memref<1x3328xf32, #tpu.memory_space<hbm>>
    %dma_start3A_241 = tpu.memref_squeeze %dma_start3A_240 : memref<1x3328xf32, #tpu.memory_space<hbm>> -> memref<3328xf32, #tpu.memory_space<hbm>>
    %dma_start3A_242 = arith.constant 0 : i32
    %dma_start3A_243 = tpu.memref_slice %arg6[%add3A, %dma_start3A_242] : memref<32x53248xf32, #tpu.memory_space<hbm>> -> memref<1x3328xf32, #tpu.memory_space<hbm>>
    %dma_start3A_244 = tpu.memref_squeeze %dma_start3A_243 : memref<1x3328xf32, #tpu.memory_space<hbm>> -> memref<3328xf32, #tpu.memory_space<hbm>>
    %dma_start3A_245 = arith.constant 0 : i32
    %dma_start3A_246 = tpu.memref_slice %arg9[%dma_start3A_245] : memref<53248xf32, #tpu.memory_space<vmem>> -> memref<3328xf32, #tpu.memory_space<vmem>>
    tpu.enqueue_dma source(%dma_start3A_246 : memref<3328xf32, #tpu.memory_space<vmem>>) target(%dma_start3A_244 : memref<3328xf32, #tpu.memory_space<hbm>>) target_semaphore(%arg15 : memref<!tpu.dma_semaphore, #tpu.memory_space<semaphore_mem>>)
    %dma_start3A_247 = arith.constant 3328 : i32
    %dma_start3A_248 = tpu.memref_slice %arg9[%dma_start3A_247] : memref<53248xf32, #tpu.memory_space<vmem>> -> memref<3328xf32, #tpu.memory_space<vmem>>
    %dma_start3A_249 = arith.constant 3328 : i32
    %dma_start3A_250 = tpu.memref_slice %arg6[%add3A, %dma_start3A_249] : memref<32x53248xf32, #tpu.memory_space<hbm>> -> memref<1x3328xf32, #tpu.memory_space<hbm>>
    %dma_start3A_251 = tpu.memref_squeeze %dma_start3A_250 : memref<1x3328xf32, #tpu.memory_space<hbm>> -> memref<3328xf32, #tpu.memory_space<hbm>>
    %dma_start3A_252 = arith.constant 3328 : i32
    %dma_start3A_253 = tpu.memref_slice %arg6[%add3A, %dma_start3A_252] : memref<32x53248xf32, #tpu.memory_space<hbm>> -> memref<1x3328xf32, #tpu.memory_space<hbm>>
    %dma_start3A_254 = tpu.memref_squeeze %dma_start3A_253 : memref<1x3328xf32, #tpu.memory_space<hbm>> -> memref<3328xf32, #tpu.memory_space<hbm>>
    %dma_start3A_255 = arith.constant 3328 : i32
    %dma_start3A_256 = tpu.memref_slice %arg9[%dma_start3A_255] : memref<53248xf32, #tpu.memory_space<vmem>> -> memref<3328xf32, #tpu.memory_space<vmem>>
    tpu.enqueue_dma source(%dma_start3A_256 : memref<3328xf32, #tpu.memory_space<vmem>>) target(%dma_start3A_254 : memref<3328xf32, #tpu.memory_space<hbm>>) target_semaphore(%arg15 : memref<!tpu.dma_semaphore, #tpu.memory_space<semaphore_mem>>)
    %dma_start3A_257 = arith.constant 6656 : i32
    %dma_start3A_258 = tpu.memref_slice %arg9[%dma_start3A_257] : memref<53248xf32, #tpu.memory_space<vmem>> -> memref<3328xf32, #tpu.memory_space<vmem>>
    %dma_start3A_259 = arith.constant 6656 : i32
    %dma_start3A_260 = tpu.memref_slice %arg6[%add3A, %dma_start3A_259] : memref<32x53248xf32, #tpu.memory_space<hbm>> -> memref<1x3328xf32, #tpu.memory_space<hbm>>
    %dma_start3A_261 = tpu.memref_squeeze %dma_start3A_260 : memref<1x3328xf32, #tpu.memory_space<hbm>> -> memref<3328xf32, #tpu.memory_space<hbm>>
    %dma_start3A_262 = arith.constant 6656 : i32
    %dma_start3A_263 = tpu.memref_slice %arg6[%add3A, %dma_start3A_262] : memref<32x53248xf32, #tpu.memory_space<hbm>> -> memref<1x3328xf32, #tpu.memory_space<hbm>>
    %dma_start3A_264 = tpu.memref_squeeze %dma_start3A_263 : memref<1x3328xf32, #tpu.memory_space<hbm>> -> memref<3328xf32, #tpu.memory_space<hbm>>
    %dma_start3A_265 = arith.constant 6656 : i32
    %dma_start3A_266 = tpu.memref_slice %arg9[%dma_start3A_265] : memref<53248xf32, #tpu.memory_space<vmem>> -> memref<3328xf32, #tpu.memory_space<vmem>>
    tpu.enqueue_dma source(%dma_start3A_266 : memref<3328xf32, #tpu.memory_space<vmem>>) target(%dma_start3A_264 : memref<3328xf32, #tpu.memory_space<hbm>>) target_semaphore(%arg15 : memref<!tpu.dma_semaphore, #tpu.memory_space<semaphore_mem>>)
    %dma_start3A_267 = arith.constant 9984 : i32
    %dma_start3A_268 = tpu.memref_slice %arg9[%dma_start3A_267] : memref<53248xf32, #tpu.memory_space<vmem>> -> memref<3328xf32, #tpu.memory_space<vmem>>
    %dma_start3A_269 = arith.constant 9984 : i32
    %dma_start3A_270 = tpu.memref_slice %arg6[%add3A, %dma_start3A_269] : memref<32x53248xf32, #tpu.memory_space<hbm>> -> memref<1x3328xf32, #tpu.memory_space<hbm>>
    %dma_start3A_271 = tpu.memref_squeeze %dma_start3A_270 : memref<1x3328xf32, #tpu.memory_space<hbm>> -> memref<3328xf32, #tpu.memory_space<hbm>>
    %dma_start3A_272 = arith.constant 9984 : i32
    %dma_start3A_273 = tpu.memref_slice %arg6[%add3A, %dma_start3A_272] : memref<32x53248xf32, #tpu.memory_space<hbm>> -> memref<1x3328xf32, #tpu.memory_space<hbm>>
    %dma_start3A_274 = tpu.memref_squeeze %dma_start3A_273 : memref<1x3328xf32, #tpu.memory_space<hbm>> -> memref<3328xf32, #tpu.memory_space<hbm>>
    %dma_start3A_275 = arith.constant 9984 : i32
    %dma_start3A_276 = tpu.memref_slice %arg9[%dma_start3A_275] : memref<53248xf32, #tpu.memory_space<vmem>> -> memref<3328xf32, #tpu.memory_space<vmem>>
    tpu.enqueue_dma source(%dma_start3A_276 : memref<3328xf32, #tpu.memory_space<vmem>>) target(%dma_start3A_274 : memref<3328xf32, #tpu.memory_space<hbm>>) target_semaphore(%arg15 : memref<!tpu.dma_semaphore, #tpu.memory_space<semaphore_mem>>)
    %dma_start3A_277 = arith.constant 13312 : i32
    %dma_start3A_278 = tpu.memref_slice %arg9[%dma_start3A_277] : memref<53248xf32, #tpu.memory_space<vmem>> -> memref<3328xf32, #tpu.memory_space<vmem>>
    %dma_start3A_279 = arith.constant 13312 : i32
    %dma_start3A_280 = tpu.memref_slice %arg6[%add3A, %dma_start3A_279] : memref<32x53248xf32, #tpu.memory_space<hbm>> -> memref<1x3328xf32, #tpu.memory_space<hbm>>
    %dma_start3A_281 = tpu.memref_squeeze %dma_start3A_280 : memref<1x3328xf32, #tpu.memory_space<hbm>> -> memref<3328xf32, #tpu.memory_space<hbm>>
    %dma_start3A_282 = arith.constant 13312 : i32
    %dma_start3A_283 = tpu.memref_slice %arg6[%add3A, %dma_start3A_282] : memref<32x53248xf32, #tpu.memory_space<hbm>> -> memref<1x3328xf32, #tpu.memory_space<hbm>>
    %dma_start3A_284 = tpu.memref_squeeze %dma_start3A_283 : memref<1x3328xf32, #tpu.memory_space<hbm>> -> memref<3328xf32, #tpu.memory_space<hbm>>
    %dma_start3A_285 = arith.constant 13312 : i32
    %dma_start3A_286 = tpu.memref_slice %arg9[%dma_start3A_285] : memref<53248xf32, #tpu.memory_space<vmem>> -> memref<3328xf32, #tpu.memory_space<vmem>>
    tpu.enqueue_dma source(%dma_start3A_286 : memref<3328xf32, #tpu.memory_space<vmem>>) target(%dma_start3A_284 : memref<3328xf32, #tpu.memory_space<hbm>>) target_semaphore(%arg15 : memref<!tpu.dma_semaphore, #tpu.memory_space<semaphore_mem>>)
    %dma_start3A_287 = arith.constant 16640 : i32
    %dma_start3A_288 = tpu.memref_slice %arg9[%dma_start3A_287] : memref<53248xf32, #tpu.memory_space<vmem>> -> memref<3328xf32, #tpu.memory_space<vmem>>
    %dma_start3A_289 = arith.constant 16640 : i32
    %dma_start3A_290 = tpu.memref_slice %arg6[%add3A, %dma_start3A_289] : memref<32x53248xf32, #tpu.memory_space<hbm>> -> memref<1x3328xf32, #tpu.memory_space<hbm>>
    %dma_start3A_291 = tpu.memref_squeeze %dma_start3A_290 : memref<1x3328xf32, #tpu.memory_space<hbm>> -> memref<3328xf32, #tpu.memory_space<hbm>>
    %dma_start3A_292 = arith.constant 16640 : i32
    %dma_start3A_293 = tpu.memref_slice %arg6[%add3A, %dma_start3A_292] : memref<32x53248xf32, #tpu.memory_space<hbm>> -> memref<1x3328xf32, #tpu.memory_space<hbm>>
    %dma_start3A_294 = tpu.memref_squeeze %dma_start3A_293 : memref<1x3328xf32, #tpu.memory_space<hbm>> -> memref<3328xf32, #tpu.memory_space<hbm>>
    %dma_start3A_295 = arith.constant 16640 : i32
    %dma_start3A_296 = tpu.memref_slice %arg9[%dma_start3A_295] : memref<53248xf32, #tpu.memory_space<vmem>> -> memref<3328xf32, #tpu.memory_space<vmem>>
    tpu.enqueue_dma source(%dma_start3A_296 : memref<3328xf32, #tpu.memory_space<vmem>>) target(%dma_start3A_294 : memref<3328xf32, #tpu.memory_space<hbm>>) target_semaphore(%arg15 : memref<!tpu.dma_semaphore, #tpu.memory_space<semaphore_mem>>)
    %dma_start3A_297 = arith.constant 19968 : i32
    %dma_start3A_298 = tpu.memref_slice %arg9[%dma_start3A_297] : memref<53248xf32, #tpu.memory_space<vmem>> -> memref<3328xf32, #tpu.memory_space<vmem>>
    %dma_start3A_299 = arith.constant 19968 : i32
    %dma_start3A_300 = tpu.memref_slice %arg6[%add3A, %dma_start3A_299] : memref<32x53248xf32, #tpu.memory_space<hbm>> -> memref<1x3328xf32, #tpu.memory_space<hbm>>
    %dma_start3A_301 = tpu.memref_squeeze %dma_start3A_300 : memref<1x3328xf32, #tpu.memory_space<hbm>> -> memref<3328xf32, #tpu.memory_space<hbm>>
    %dma_start3A_302 = arith.constant 19968 : i32
    %dma_start3A_303 = tpu.memref_slice %arg6[%add3A, %dma_start3A_302] : memref<32x53248xf32, #tpu.memory_space<hbm>> -> memref<1x3328xf32, #tpu.memory_space<hbm>>
    %dma_start3A_304 = tpu.memref_squeeze %dma_start3A_303 : memref<1x3328xf32, #tpu.memory_space<hbm>> -> memref<3328xf32, #tpu.memory_space<hbm>>
    %dma_start3A_305 = arith.constant 19968 : i32
    %dma_start3A_306 = tpu.memref_slice %arg9[%dma_start3A_305] : memref<53248xf32, #tpu.memory_space<vmem>> -> memref<3328xf32, #tpu.memory_space<vmem>>
    tpu.enqueue_dma source(%dma_start3A_306 : memref<3328xf32, #tpu.memory_space<vmem>>) target(%dma_start3A_304 : memref<3328xf32, #tpu.memory_space<hbm>>) target_semaphore(%arg15 : memref<!tpu.dma_semaphore, #tpu.memory_space<semaphore_mem>>)
    %dma_start3A_307 = arith.constant 23296 : i32
    %dma_start3A_308 = tpu.memref_slice %arg9[%dma_start3A_307] : memref<53248xf32, #tpu.memory_space<vmem>> -> memref<3328xf32, #tpu.memory_space<vmem>>
    %dma_start3A_309 = arith.constant 23296 : i32
    %dma_start3A_310 = tpu.memref_slice %arg6[%add3A, %dma_start3A_309] : memref<32x53248xf32, #tpu.memory_space<hbm>> -> memref<1x3328xf32, #tpu.memory_space<hbm>>
    %dma_start3A_311 = tpu.memref_squeeze %dma_start3A_310 : memref<1x3328xf32, #tpu.memory_space<hbm>> -> memref<3328xf32, #tpu.memory_space<hbm>>
    %dma_start3A_312 = arith.constant 23296 : i32
    %dma_start3A_313 = tpu.memref_slice %arg6[%add3A, %dma_start3A_312] : memref<32x53248xf32, #tpu.memory_space<hbm>> -> memref<1x3328xf32, #tpu.memory_space<hbm>>
    %dma_start3A_314 = tpu.memref_squeeze %dma_start3A_313 : memref<1x3328xf32, #tpu.memory_space<hbm>> -> memref<3328xf32, #tpu.memory_space<hbm>>
    %dma_start3A_315 = arith.constant 23296 : i32
    %dma_start3A_316 = tpu.memref_slice %arg9[%dma_start3A_315] : memref<53248xf32, #tpu.memory_space<vmem>> -> memref<3328xf32, #tpu.memory_space<vmem>>
    tpu.enqueue_dma source(%dma_start3A_316 : memref<3328xf32, #tpu.memory_space<vmem>>) target(%dma_start3A_314 : memref<3328xf32, #tpu.memory_space<hbm>>) target_semaphore(%arg15 : memref<!tpu.dma_semaphore, #tpu.memory_space<semaphore_mem>>)
    %dma_wait3A_317 = arith.constant 26624 : i32
    %dma_wait3A_318 = tpu.memref_slice %arg9[%dma_wait3A_317] : memref<53248xf32, #tpu.memory_space<vmem>> -> memref<3328xf32, #tpu.memory_space<vmem>>
    %dma_wait3A_319 = arith.constant 26624 : i32
    %dma_wait3A_320 = tpu.memref_slice %arg8[%dma_wait3A_319] : memref<53248xi32, #tpu.memory_space<vmem>> -> memref<3328xi32, #tpu.memory_space<vmem>>
    %dma_wait3A_321 = arith.constant 0 : i32
    %dma_wait3A_322 = tpu.memref_slice %arg2[%dma_wait3A_321] : memref<41600000xf32, #tpu.memory_space<hbm>> -> memref<41600000xf32, #tpu.memory_space<hbm>>
    tpu.wait_indirect_dma semaphore(%arg12 : memref<!tpu.dma_semaphore, #tpu.memory_space<semaphore_mem>>) src(%dma_wait3A_322 : memref<41600000xf32, #tpu.memory_space<hbm>>) dst(%dma_wait3A_318 : memref<3328xf32, #tpu.memory_space<vmem>>)
    %dma_wait3A_323 = arith.constant 29952 : i32
    %dma_wait3A_324 = tpu.memref_slice %arg9[%dma_wait3A_323] : memref<53248xf32, #tpu.memory_space<vmem>> -> memref<3328xf32, #tpu.memory_space<vmem>>
    %dma_wait3A_325 = arith.constant 29952 : i32
    %dma_wait3A_326 = tpu.memref_slice %arg8[%dma_wait3A_325] : memref<53248xi32, #tpu.memory_space<vmem>> -> memref<3328xi32, #tpu.memory_space<vmem>>
    %dma_wait3A_327 = arith.constant 0 : i32
    %dma_wait3A_328 = tpu.memref_slice %arg2[%dma_wait3A_327] : memref<41600000xf32, #tpu.memory_space<hbm>> -> memref<41600000xf32, #tpu.memory_space<hbm>>
    tpu.wait_indirect_dma semaphore(%arg12 : memref<!tpu.dma_semaphore, #tpu.memory_space<semaphore_mem>>) src(%dma_wait3A_328 : memref<41600000xf32, #tpu.memory_space<hbm>>) dst(%dma_wait3A_324 : memref<3328xf32, #tpu.memory_space<vmem>>)
    %dma_wait3A_329 = arith.constant 33280 : i32
    %dma_wait3A_330 = tpu.memref_slice %arg9[%dma_wait3A_329] : memref<53248xf32, #tpu.memory_space<vmem>> -> memref<3328xf32, #tpu.memory_space<vmem>>
    %dma_wait3A_331 = arith.constant 33280 : i32
    %dma_wait3A_332 = tpu.memref_slice %arg8[%dma_wait3A_331] : memref<53248xi32, #tpu.memory_space<vmem>> -> memref<3328xi32, #tpu.memory_space<vmem>>
    %dma_wait3A_333 = arith.constant 0 : i32
    %dma_wait3A_334 = tpu.memref_slice %arg2[%dma_wait3A_333] : memref<41600000xf32, #tpu.memory_space<hbm>> -> memref<41600000xf32, #tpu.memory_space<hbm>>
    tpu.wait_indirect_dma semaphore(%arg12 : memref<!tpu.dma_semaphore, #tpu.memory_space<semaphore_mem>>) src(%dma_wait3A_334 : memref<41600000xf32, #tpu.memory_space<hbm>>) dst(%dma_wait3A_330 : memref<3328xf32, #tpu.memory_space<vmem>>)
    %dma_wait3A_335 = arith.constant 36608 : i32
    %dma_wait3A_336 = tpu.memref_slice %arg9[%dma_wait3A_335] : memref<53248xf32, #tpu.memory_space<vmem>> -> memref<3328xf32, #tpu.memory_space<vmem>>
    %dma_wait3A_337 = arith.constant 36608 : i32
    %dma_wait3A_338 = tpu.memref_slice %arg8[%dma_wait3A_337] : memref<53248xi32, #tpu.memory_space<vmem>> -> memref<3328xi32, #tpu.memory_space<vmem>>
    %dma_wait3A_339 = arith.constant 0 : i32
    %dma_wait3A_340 = tpu.memref_slice %arg2[%dma_wait3A_339] : memref<41600000xf32, #tpu.memory_space<hbm>> -> memref<41600000xf32, #tpu.memory_space<hbm>>
    tpu.wait_indirect_dma semaphore(%arg12 : memref<!tpu.dma_semaphore, #tpu.memory_space<semaphore_mem>>) src(%dma_wait3A_340 : memref<41600000xf32, #tpu.memory_space<hbm>>) dst(%dma_wait3A_336 : memref<3328xf32, #tpu.memory_space<vmem>>)
    %dma_wait3A_341 = arith.constant 39936 : i32
    %dma_wait3A_342 = tpu.memref_slice %arg9[%dma_wait3A_341] : memref<53248xf32, #tpu.memory_space<vmem>> -> memref<3328xf32, #tpu.memory_space<vmem>>
    %dma_wait3A_343 = arith.constant 39936 : i32
    %dma_wait3A_344 = tpu.memref_slice %arg8[%dma_wait3A_343] : memref<53248xi32, #tpu.memory_space<vmem>> -> memref<3328xi32, #tpu.memory_space<vmem>>
    %dma_wait3A_345 = arith.constant 0 : i32
    %dma_wait3A_346 = tpu.memref_slice %arg2[%dma_wait3A_345] : memref<41600000xf32, #tpu.memory_space<hbm>> -> memref<41600000xf32, #tpu.memory_space<hbm>>
    tpu.wait_indirect_dma semaphore(%arg12 : memref<!tpu.dma_semaphore, #tpu.memory_space<semaphore_mem>>) src(%dma_wait3A_346 : memref<41600000xf32, #tpu.memory_space<hbm>>) dst(%dma_wait3A_342 : memref<3328xf32, #tpu.memory_space<vmem>>)
    %dma_wait3A_347 = arith.constant 43264 : i32
    %dma_wait3A_348 = tpu.memref_slice %arg9[%dma_wait3A_347] : memref<53248xf32, #tpu.memory_space<vmem>> -> memref<3328xf32, #tpu.memory_space<vmem>>
    %dma_wait3A_349 = arith.constant 43264 : i32
    %dma_wait3A_350 = tpu.memref_slice %arg8[%dma_wait3A_349] : memref<53248xi32, #tpu.memory_space<vmem>> -> memref<3328xi32, #tpu.memory_space<vmem>>
    %dma_wait3A_351 = arith.constant 0 : i32
    %dma_wait3A_352 = tpu.memref_slice %arg2[%dma_wait3A_351] : memref<41600000xf32, #tpu.memory_space<hbm>> -> memref<41600000xf32, #tpu.memory_space<hbm>>
    tpu.wait_indirect_dma semaphore(%arg12 : memref<!tpu.dma_semaphore, #tpu.memory_space<semaphore_mem>>) src(%dma_wait3A_352 : memref<41600000xf32, #tpu.memory_space<hbm>>) dst(%dma_wait3A_348 : memref<3328xf32, #tpu.memory_space<vmem>>)
    %dma_wait3A_353 = arith.constant 46592 : i32
    %dma_wait3A_354 = tpu.memref_slice %arg9[%dma_wait3A_353] : memref<53248xf32, #tpu.memory_space<vmem>> -> memref<3328xf32, #tpu.memory_space<vmem>>
    %dma_wait3A_355 = arith.constant 46592 : i32
    %dma_wait3A_356 = tpu.memref_slice %arg8[%dma_wait3A_355] : memref<53248xi32, #tpu.memory_space<vmem>> -> memref<3328xi32, #tpu.memory_space<vmem>>
    %dma_wait3A_357 = arith.constant 0 : i32
    %dma_wait3A_358 = tpu.memref_slice %arg2[%dma_wait3A_357] : memref<41600000xf32, #tpu.memory_space<hbm>> -> memref<41600000xf32, #tpu.memory_space<hbm>>
    tpu.wait_indirect_dma semaphore(%arg12 : memref<!tpu.dma_semaphore, #tpu.memory_space<semaphore_mem>>) src(%dma_wait3A_358 : memref<41600000xf32, #tpu.memory_space<hbm>>) dst(%dma_wait3A_354 : memref<3328xf32, #tpu.memory_space<vmem>>)
    %dma_wait3A_359 = arith.constant 49920 : i32
    %dma_wait3A_360 = tpu.memref_slice %arg9[%dma_wait3A_359] : memref<53248xf32, #tpu.memory_space<vmem>> -> memref<3328xf32, #tpu.memory_space<vmem>>
    %dma_wait3A_361 = arith.constant 49920 : i32
    %dma_wait3A_362 = tpu.memref_slice %arg8[%dma_wait3A_361] : memref<53248xi32, #tpu.memory_space<vmem>> -> memref<3328xi32, #tpu.memory_space<vmem>>
    %dma_wait3A_363 = arith.constant 0 : i32
    %dma_wait3A_364 = tpu.memref_slice %arg2[%dma_wait3A_363] : memref<41600000xf32, #tpu.memory_space<hbm>> -> memref<41600000xf32, #tpu.memory_space<hbm>>
    tpu.wait_indirect_dma semaphore(%arg12 : memref<!tpu.dma_semaphore, #tpu.memory_space<semaphore_mem>>) src(%dma_wait3A_364 : memref<41600000xf32, #tpu.memory_space<hbm>>) dst(%dma_wait3A_360 : memref<3328xf32, #tpu.memory_space<vmem>>)
    %dma_start3A_365 = arith.constant 26624 : i32
    %dma_start3A_366 = tpu.memref_slice %arg9[%dma_start3A_365] : memref<53248xf32, #tpu.memory_space<vmem>> -> memref<3328xf32, #tpu.memory_space<vmem>>
    %dma_start3A_367 = arith.constant 26624 : i32
    %dma_start3A_368 = tpu.memref_slice %arg6[%add3A, %dma_start3A_367] : memref<32x53248xf32, #tpu.memory_space<hbm>> -> memref<1x3328xf32, #tpu.memory_space<hbm>>
    %dma_start3A_369 = tpu.memref_squeeze %dma_start3A_368 : memref<1x3328xf32, #tpu.memory_space<hbm>> -> memref<3328xf32, #tpu.memory_space<hbm>>
    %dma_start3A_370 = arith.constant 26624 : i32
    %dma_start3A_371 = tpu.memref_slice %arg6[%add3A, %dma_start3A_370] : memref<32x53248xf32, #tpu.memory_space<hbm>> -> memref<1x3328xf32, #tpu.memory_space<hbm>>
    %dma_start3A_372 = tpu.memref_squeeze %dma_start3A_371 : memref<1x3328xf32, #tpu.memory_space<hbm>> -> memref<3328xf32, #tpu.memory_space<hbm>>
    %dma_start3A_373 = arith.constant 26624 : i32
    %dma_start3A_374 = tpu.memref_slice %arg9[%dma_start3A_373] : memref<53248xf32, #tpu.memory_space<vmem>> -> memref<3328xf32, #tpu.memory_space<vmem>>
    tpu.enqueue_dma source(%dma_start3A_374 : memref<3328xf32, #tpu.memory_space<vmem>>) target(%dma_start3A_372 : memref<3328xf32, #tpu.memory_space<hbm>>) target_semaphore(%arg15 : memref<!tpu.dma_semaphore, #tpu.memory_space<semaphore_mem>>)
    %dma_start3A_375 = arith.constant 29952 : i32
    %dma_start3A_376 = tpu.memref_slice %arg9[%dma_start3A_375] : memref<53248xf32, #tpu.memory_space<vmem>> -> memref<3328xf32, #tpu.memory_space<vmem>>
    %dma_start3A_377 = arith.constant 29952 : i32
    %dma_start3A_378 = tpu.memref_slice %arg6[%add3A, %dma_start3A_377] : memref<32x53248xf32, #tpu.memory_space<hbm>> -> memref<1x3328xf32, #tpu.memory_space<hbm>>
    %dma_start3A_379 = tpu.memref_squeeze %dma_start3A_378 : memref<1x3328xf32, #tpu.memory_space<hbm>> -> memref<3328xf32, #tpu.memory_space<hbm>>
    %dma_start3A_380 = arith.constant 29952 : i32
    %dma_start3A_381 = tpu.memref_slice %arg6[%add3A, %dma_start3A_380] : memref<32x53248xf32, #tpu.memory_space<hbm>> -> memref<1x3328xf32, #tpu.memory_space<hbm>>
    %dma_start3A_382 = tpu.memref_squeeze %dma_start3A_381 : memref<1x3328xf32, #tpu.memory_space<hbm>> -> memref<3328xf32, #tpu.memory_space<hbm>>
    %dma_start3A_383 = arith.constant 29952 : i32
    %dma_start3A_384 = tpu.memref_slice %arg9[%dma_start3A_383] : memref<53248xf32, #tpu.memory_space<vmem>> -> memref<3328xf32, #tpu.memory_space<vmem>>
    tpu.enqueue_dma source(%dma_start3A_384 : memref<3328xf32, #tpu.memory_space<vmem>>) target(%dma_start3A_382 : memref<3328xf32, #tpu.memory_space<hbm>>) target_semaphore(%arg15 : memref<!tpu.dma_semaphore, #tpu.memory_space<semaphore_mem>>)
    %dma_start3A_385 = arith.constant 33280 : i32
    %dma_start3A_386 = tpu.memref_slice %arg9[%dma_start3A_385] : memref<53248xf32, #tpu.memory_space<vmem>> -> memref<3328xf32, #tpu.memory_space<vmem>>
    %dma_start3A_387 = arith.constant 33280 : i32
    %dma_start3A_388 = tpu.memref_slice %arg6[%add3A, %dma_start3A_387] : memref<32x53248xf32, #tpu.memory_space<hbm>> -> memref<1x3328xf32, #tpu.memory_space<hbm>>
    %dma_start3A_389 = tpu.memref_squeeze %dma_start3A_388 : memref<1x3328xf32, #tpu.memory_space<hbm>> -> memref<3328xf32, #tpu.memory_space<hbm>>
    %dma_start3A_390 = arith.constant 33280 : i32
    %dma_start3A_391 = tpu.memref_slice %arg6[%add3A, %dma_start3A_390] : memref<32x53248xf32, #tpu.memory_space<hbm>> -> memref<1x3328xf32, #tpu.memory_space<hbm>>
    %dma_start3A_392 = tpu.memref_squeeze %dma_start3A_391 : memref<1x3328xf32, #tpu.memory_space<hbm>> -> memref<3328xf32, #tpu.memory_space<hbm>>
    %dma_start3A_393 = arith.constant 33280 : i32
    %dma_start3A_394 = tpu.memref_slice %arg9[%dma_start3A_393] : memref<53248xf32, #tpu.memory_space<vmem>> -> memref<3328xf32, #tpu.memory_space<vmem>>
    tpu.enqueue_dma source(%dma_start3A_394 : memref<3328xf32, #tpu.memory_space<vmem>>) target(%dma_start3A_392 : memref<3328xf32, #tpu.memory_space<hbm>>) target_semaphore(%arg15 : memref<!tpu.dma_semaphore, #tpu.memory_space<semaphore_mem>>)
    %dma_start3A_395 = arith.constant 36608 : i32
    %dma_start3A_396 = tpu.memref_slice %arg9[%dma_start3A_395] : memref<53248xf32, #tpu.memory_space<vmem>> -> memref<3328xf32, #tpu.memory_space<vmem>>
    %dma_start3A_397 = arith.constant 36608 : i32
    %dma_start3A_398 = tpu.memref_slice %arg6[%add3A, %dma_start3A_397] : memref<32x53248xf32, #tpu.memory_space<hbm>> -> memref<1x3328xf32, #tpu.memory_space<hbm>>
    %dma_start3A_399 = tpu.memref_squeeze %dma_start3A_398 : memref<1x3328xf32, #tpu.memory_space<hbm>> -> memref<3328xf32, #tpu.memory_space<hbm>>
    %dma_start3A_400 = arith.constant 36608 : i32
    %dma_start3A_401 = tpu.memref_slice %arg6[%add3A, %dma_start3A_400] : memref<32x53248xf32, #tpu.memory_space<hbm>> -> memref<1x3328xf32, #tpu.memory_space<hbm>>
    %dma_start3A_402 = tpu.memref_squeeze %dma_start3A_401 : memref<1x3328xf32, #tpu.memory_space<hbm>> -> memref<3328xf32, #tpu.memory_space<hbm>>
    %dma_start3A_403 = arith.constant 36608 : i32
    %dma_start3A_404 = tpu.memref_slice %arg9[%dma_start3A_403] : memref<53248xf32, #tpu.memory_space<vmem>> -> memref<3328xf32, #tpu.memory_space<vmem>>
    tpu.enqueue_dma source(%dma_start3A_404 : memref<3328xf32, #tpu.memory_space<vmem>>) target(%dma_start3A_402 : memref<3328xf32, #tpu.memory_space<hbm>>) target_semaphore(%arg15 : memref<!tpu.dma_semaphore, #tpu.memory_space<semaphore_mem>>)
    %dma_start3A_405 = arith.constant 39936 : i32
    %dma_start3A_406 = tpu.memref_slice %arg9[%dma_start3A_405] : memref<53248xf32, #tpu.memory_space<vmem>> -> memref<3328xf32, #tpu.memory_space<vmem>>
    %dma_start3A_407 = arith.constant 39936 : i32
    %dma_start3A_408 = tpu.memref_slice %arg6[%add3A, %dma_start3A_407] : memref<32x53248xf32, #tpu.memory_space<hbm>> -> memref<1x3328xf32, #tpu.memory_space<hbm>>
    %dma_start3A_409 = tpu.memref_squeeze %dma_start3A_408 : memref<1x3328xf32, #tpu.memory_space<hbm>> -> memref<3328xf32, #tpu.memory_space<hbm>>
    %dma_start3A_410 = arith.constant 39936 : i32
    %dma_start3A_411 = tpu.memref_slice %arg6[%add3A, %dma_start3A_410] : memref<32x53248xf32, #tpu.memory_space<hbm>> -> memref<1x3328xf32, #tpu.memory_space<hbm>>
    %dma_start3A_412 = tpu.memref_squeeze %dma_start3A_411 : memref<1x3328xf32, #tpu.memory_space<hbm>> -> memref<3328xf32, #tpu.memory_space<hbm>>
    %dma_start3A_413 = arith.constant 39936 : i32
    %dma_start3A_414 = tpu.memref_slice %arg9[%dma_start3A_413] : memref<53248xf32, #tpu.memory_space<vmem>> -> memref<3328xf32, #tpu.memory_space<vmem>>
    tpu.enqueue_dma source(%dma_start3A_414 : memref<3328xf32, #tpu.memory_space<vmem>>) target(%dma_start3A_412 : memref<3328xf32, #tpu.memory_space<hbm>>) target_semaphore(%arg15 : memref<!tpu.dma_semaphore, #tpu.memory_space<semaphore_mem>>)
    %dma_start3A_415 = arith.constant 43264 : i32
    %dma_start3A_416 = tpu.memref_slice %arg9[%dma_start3A_415] : memref<53248xf32, #tpu.memory_space<vmem>> -> memref<3328xf32, #tpu.memory_space<vmem>>
    %dma_start3A_417 = arith.constant 43264 : i32
    %dma_start3A_418 = tpu.memref_slice %arg6[%add3A, %dma_start3A_417] : memref<32x53248xf32, #tpu.memory_space<hbm>> -> memref<1x3328xf32, #tpu.memory_space<hbm>>
    %dma_start3A_419 = tpu.memref_squeeze %dma_start3A_418 : memref<1x3328xf32, #tpu.memory_space<hbm>> -> memref<3328xf32, #tpu.memory_space<hbm>>
    %dma_start3A_420 = arith.constant 43264 : i32
    %dma_start3A_421 = tpu.memref_slice %arg6[%add3A, %dma_start3A_420] : memref<32x53248xf32, #tpu.memory_space<hbm>> -> memref<1x3328xf32, #tpu.memory_space<hbm>>
    %dma_start3A_422 = tpu.memref_squeeze %dma_start3A_421 : memref<1x3328xf32, #tpu.memory_space<hbm>> -> memref<3328xf32, #tpu.memory_space<hbm>>
    %dma_start3A_423 = arith.constant 43264 : i32
    %dma_start3A_424 = tpu.memref_slice %arg9[%dma_start3A_423] : memref<53248xf32, #tpu.memory_space<vmem>> -> memref<3328xf32, #tpu.memory_space<vmem>>
    tpu.enqueue_dma source(%dma_start3A_424 : memref<3328xf32, #tpu.memory_space<vmem>>) target(%dma_start3A_422 : memref<3328xf32, #tpu.memory_space<hbm>>) target_semaphore(%arg15 : memref<!tpu.dma_semaphore, #tpu.memory_space<semaphore_mem>>)
    %dma_start3A_425 = arith.constant 46592 : i32
    %dma_start3A_426 = tpu.memref_slice %arg9[%dma_start3A_425] : memref<53248xf32, #tpu.memory_space<vmem>> -> memref<3328xf32, #tpu.memory_space<vmem>>
    %dma_start3A_427 = arith.constant 46592 : i32
    %dma_start3A_428 = tpu.memref_slice %arg6[%add3A, %dma_start3A_427] : memref<32x53248xf32, #tpu.memory_space<hbm>> -> memref<1x3328xf32, #tpu.memory_space<hbm>>
    %dma_start3A_429 = tpu.memref_squeeze %dma_start3A_428 : memref<1x3328xf32, #tpu.memory_space<hbm>> -> memref<3328xf32, #tpu.memory_space<hbm>>
    %dma_start3A_430 = arith.constant 46592 : i32
    %dma_start3A_431 = tpu.memref_slice %arg6[%add3A, %dma_start3A_430] : memref<32x53248xf32, #tpu.memory_space<hbm>> -> memref<1x3328xf32, #tpu.memory_space<hbm>>
    %dma_start3A_432 = tpu.memref_squeeze %dma_start3A_431 : memref<1x3328xf32, #tpu.memory_space<hbm>> -> memref<3328xf32, #tpu.memory_space<hbm>>
    %dma_start3A_433 = arith.constant 46592 : i32
    %dma_start3A_434 = tpu.memref_slice %arg9[%dma_start3A_433] : memref<53248xf32, #tpu.memory_space<vmem>> -> memref<3328xf32, #tpu.memory_space<vmem>>
    tpu.enqueue_dma source(%dma_start3A_434 : memref<3328xf32, #tpu.memory_space<vmem>>) target(%dma_start3A_432 : memref<3328xf32, #tpu.memory_space<hbm>>) target_semaphore(%arg15 : memref<!tpu.dma_semaphore, #tpu.memory_space<semaphore_mem>>)
    %dma_start3A_435 = arith.constant 49920 : i32
    %dma_start3A_436 = tpu.memref_slice %arg9[%dma_start3A_435] : memref<53248xf32, #tpu.memory_space<vmem>> -> memref<3328xf32, #tpu.memory_space<vmem>>
    %dma_start3A_437 = arith.constant 49920 : i32
    %dma_start3A_438 = tpu.memref_slice %arg6[%add3A, %dma_start3A_437] : memref<32x53248xf32, #tpu.memory_space<hbm>> -> memref<1x3328xf32, #tpu.memory_space<hbm>>
    %dma_start3A_439 = tpu.memref_squeeze %dma_start3A_438 : memref<1x3328xf32, #tpu.memory_space<hbm>> -> memref<3328xf32, #tpu.memory_space<hbm>>
    %dma_start3A_440 = arith.constant 49920 : i32
    %dma_start3A_441 = tpu.memref_slice %arg6[%add3A, %dma_start3A_440] : memref<32x53248xf32, #tpu.memory_space<hbm>> -> memref<1x3328xf32, #tpu.memory_space<hbm>>
    %dma_start3A_442 = tpu.memref_squeeze %dma_start3A_441 : memref<1x3328xf32, #tpu.memory_space<hbm>> -> memref<3328xf32, #tpu.memory_space<hbm>>
    %dma_start3A_443 = arith.constant 49920 : i32
    %dma_start3A_444 = tpu.memref_slice %arg9[%dma_start3A_443] : memref<53248xf32, #tpu.memory_space<vmem>> -> memref<3328xf32, #tpu.memory_space<vmem>>
    tpu.enqueue_dma source(%dma_start3A_444 : memref<3328xf32, #tpu.memory_space<vmem>>) target(%dma_start3A_442 : memref<3328xf32, #tpu.memory_space<hbm>>) target_semaphore(%arg15 : memref<!tpu.dma_semaphore, #tpu.memory_space<semaphore_mem>>)
    %dma_wait3A_445 = arith.constant 0 : i32
    %dma_wait3A_446 = tpu.memref_slice %arg3[%dma_wait3A_445] : memref<2600000xf32, #tpu.memory_space<hbm>> -> memref<2600000xf32, #tpu.memory_space<hbm>>
    tpu.wait_indirect_dma semaphore(%arg14 : memref<!tpu.dma_semaphore, #tpu.memory_space<semaphore_mem>>) src(%dma_wait3A_446 : memref<2600000xf32, #tpu.memory_space<hbm>>) dst(%arg11 : memref<3328xf32, #tpu.memory_space<vmem>>)
    %dma_start3A_447 = arith.constant 0 : i32
    %dma_start3A_448 = tpu.memref_slice %arg7[%add3A, %dma_start3A_447] : memref<32x3328xf32, #tpu.memory_space<hbm>> -> memref<1x3328xf32, #tpu.memory_space<hbm>>
    %dma_start3A_449 = tpu.memref_squeeze %dma_start3A_448 : memref<1x3328xf32, #tpu.memory_space<hbm>> -> memref<3328xf32, #tpu.memory_space<hbm>>
    %dma_start3A_450 = arith.constant 0 : i32
    %dma_start3A_451 = tpu.memref_slice %arg7[%add3A, %dma_start3A_450] : memref<32x3328xf32, #tpu.memory_space<hbm>> -> memref<1x3328xf32, #tpu.memory_space<hbm>>
    %dma_start3A_452 = tpu.memref_squeeze %dma_start3A_451 : memref<1x3328xf32, #tpu.memory_space<hbm>> -> memref<3328xf32, #tpu.memory_space<hbm>>
    tpu.enqueue_dma source(%arg11 : memref<3328xf32, #tpu.memory_space<vmem>>) target(%dma_start3A_452 : memref<3328xf32, #tpu.memory_space<hbm>>) target_semaphore(%arg15 : memref<!tpu.dma_semaphore, #tpu.memory_space<semaphore_mem>>)
    %dma_wait3A_453 = arith.constant 0 : i32
    %dma_wait3A_454 = tpu.memref_slice %arg9[%dma_wait3A_453] : memref<53248xf32, #tpu.memory_space<vmem>> -> memref<3328xf32, #tpu.memory_space<vmem>>
    %dma_wait3A_455 = arith.constant 0 : i32
    %dma_wait3A_456 = tpu.memref_slice %arg6[%add3A, %dma_wait3A_455] : memref<32x53248xf32, #tpu.memory_space<hbm>> -> memref<1x3328xf32, #tpu.memory_space<hbm>>
    %dma_wait3A_457 = tpu.memref_squeeze %dma_wait3A_456 : memref<1x3328xf32, #tpu.memory_space<hbm>> -> memref<3328xf32, #tpu.memory_space<hbm>>
    %dma_wait3A_458 = arith.constant 0 : i32
    %dma_wait3A_459 = tpu.memref_slice %arg6[%add3A, %dma_wait3A_458] : memref<32x53248xf32, #tpu.memory_space<hbm>> -> memref<1x3328xf32, #tpu.memory_space<hbm>>
    %dma_wait3A_460 = tpu.memref_squeeze %dma_wait3A_459 : memref<1x3328xf32, #tpu.memory_space<hbm>> -> memref<3328xf32, #tpu.memory_space<hbm>>
    %dma_wait3A_461 = arith.constant 0 : i32
    %dma_wait3A_462 = tpu.memref_slice %arg9[%dma_wait3A_461] : memref<53248xf32, #tpu.memory_space<vmem>> -> memref<3328xf32, #tpu.memory_space<vmem>>
    tpu.wait_dma2 semaphore(%arg15 : memref<!tpu.dma_semaphore, #tpu.memory_space<semaphore_mem>>) src(%dma_wait3A_462 : memref<3328xf32, #tpu.memory_space<vmem>>) dst(%dma_wait3A_460 : memref<3328xf32, #tpu.memory_space<hbm>>)
    %dma_wait3A_463 = arith.constant 3328 : i32
    %dma_wait3A_464 = tpu.memref_slice %arg9[%dma_wait3A_463] : memref<53248xf32, #tpu.memory_space<vmem>> -> memref<3328xf32, #tpu.memory_space<vmem>>
    %dma_wait3A_465 = arith.constant 3328 : i32
    %dma_wait3A_466 = tpu.memref_slice %arg6[%add3A, %dma_wait3A_465] : memref<32x53248xf32, #tpu.memory_space<hbm>> -> memref<1x3328xf32, #tpu.memory_space<hbm>>
    %dma_wait3A_467 = tpu.memref_squeeze %dma_wait3A_466 : memref<1x3328xf32, #tpu.memory_space<hbm>> -> memref<3328xf32, #tpu.memory_space<hbm>>
    %dma_wait3A_468 = arith.constant 3328 : i32
    %dma_wait3A_469 = tpu.memref_slice %arg6[%add3A, %dma_wait3A_468] : memref<32x53248xf32, #tpu.memory_space<hbm>> -> memref<1x3328xf32, #tpu.memory_space<hbm>>
    %dma_wait3A_470 = tpu.memref_squeeze %dma_wait3A_469 : memref<1x3328xf32, #tpu.memory_space<hbm>> -> memref<3328xf32, #tpu.memory_space<hbm>>
    %dma_wait3A_471 = arith.constant 3328 : i32
    %dma_wait3A_472 = tpu.memref_slice %arg9[%dma_wait3A_471] : memref<53248xf32, #tpu.memory_space<vmem>> -> memref<3328xf32, #tpu.memory_space<vmem>>
    tpu.wait_dma2 semaphore(%arg15 : memref<!tpu.dma_semaphore, #tpu.memory_space<semaphore_mem>>) src(%dma_wait3A_472 : memref<3328xf32, #tpu.memory_space<vmem>>) dst(%dma_wait3A_470 : memref<3328xf32, #tpu.memory_space<hbm>>)
    %dma_wait3A_473 = arith.constant 6656 : i32
    %dma_wait3A_474 = tpu.memref_slice %arg9[%dma_wait3A_473] : memref<53248xf32, #tpu.memory_space<vmem>> -> memref<3328xf32, #tpu.memory_space<vmem>>
    %dma_wait3A_475 = arith.constant 6656 : i32
    %dma_wait3A_476 = tpu.memref_slice %arg6[%add3A, %dma_wait3A_475] : memref<32x53248xf32, #tpu.memory_space<hbm>> -> memref<1x3328xf32, #tpu.memory_space<hbm>>
    %dma_wait3A_477 = tpu.memref_squeeze %dma_wait3A_476 : memref<1x3328xf32, #tpu.memory_space<hbm>> -> memref<3328xf32, #tpu.memory_space<hbm>>
    %dma_wait3A_478 = arith.constant 6656 : i32
    %dma_wait3A_479 = tpu.memref_slice %arg6[%add3A, %dma_wait3A_478] : memref<32x53248xf32, #tpu.memory_space<hbm>> -> memref<1x3328xf32, #tpu.memory_space<hbm>>
    %dma_wait3A_480 = tpu.memref_squeeze %dma_wait3A_479 : memref<1x3328xf32, #tpu.memory_space<hbm>> -> memref<3328xf32, #tpu.memory_space<hbm>>
    %dma_wait3A_481 = arith.constant 6656 : i32
    %dma_wait3A_482 = tpu.memref_slice %arg9[%dma_wait3A_481] : memref<53248xf32, #tpu.memory_space<vmem>> -> memref<3328xf32, #tpu.memory_space<vmem>>
    tpu.wait_dma2 semaphore(%arg15 : memref<!tpu.dma_semaphore, #tpu.memory_space<semaphore_mem>>) src(%dma_wait3A_482 : memref<3328xf32, #tpu.memory_space<vmem>>) dst(%dma_wait3A_480 : memref<3328xf32, #tpu.memory_space<hbm>>)
    %dma_wait3A_483 = arith.constant 9984 : i32
    %dma_wait3A_484 = tpu.memref_slice %arg9[%dma_wait3A_483] : memref<53248xf32, #tpu.memory_space<vmem>> -> memref<3328xf32, #tpu.memory_space<vmem>>
    %dma_wait3A_485 = arith.constant 9984 : i32
    %dma_wait3A_486 = tpu.memref_slice %arg6[%add3A, %dma_wait3A_485] : memref<32x53248xf32, #tpu.memory_space<hbm>> -> memref<1x3328xf32, #tpu.memory_space<hbm>>
    %dma_wait3A_487 = tpu.memref_squeeze %dma_wait3A_486 : memref<1x3328xf32, #tpu.memory_space<hbm>> -> memref<3328xf32, #tpu.memory_space<hbm>>
    %dma_wait3A_488 = arith.constant 9984 : i32
    %dma_wait3A_489 = tpu.memref_slice %arg6[%add3A, %dma_wait3A_488] : memref<32x53248xf32, #tpu.memory_space<hbm>> -> memref<1x3328xf32, #tpu.memory_space<hbm>>
    %dma_wait3A_490 = tpu.memref_squeeze %dma_wait3A_489 : memref<1x3328xf32, #tpu.memory_space<hbm>> -> memref<3328xf32, #tpu.memory_space<hbm>>
    %dma_wait3A_491 = arith.constant 9984 : i32
    %dma_wait3A_492 = tpu.memref_slice %arg9[%dma_wait3A_491] : memref<53248xf32, #tpu.memory_space<vmem>> -> memref<3328xf32, #tpu.memory_space<vmem>>
    tpu.wait_dma2 semaphore(%arg15 : memref<!tpu.dma_semaphore, #tpu.memory_space<semaphore_mem>>) src(%dma_wait3A_492 : memref<3328xf32, #tpu.memory_space<vmem>>) dst(%dma_wait3A_490 : memref<3328xf32, #tpu.memory_space<hbm>>)
    %dma_wait3A_493 = arith.constant 13312 : i32
    %dma_wait3A_494 = tpu.memref_slice %arg9[%dma_wait3A_493] : memref<53248xf32, #tpu.memory_space<vmem>> -> memref<3328xf32, #tpu.memory_space<vmem>>
    %dma_wait3A_495 = arith.constant 13312 : i32
    %dma_wait3A_496 = tpu.memref_slice %arg6[%add3A, %dma_wait3A_495] : memref<32x53248xf32, #tpu.memory_space<hbm>> -> memref<1x3328xf32, #tpu.memory_space<hbm>>
    %dma_wait3A_497 = tpu.memref_squeeze %dma_wait3A_496 : memref<1x3328xf32, #tpu.memory_space<hbm>> -> memref<3328xf32, #tpu.memory_space<hbm>>
    %dma_wait3A_498 = arith.constant 13312 : i32
    %dma_wait3A_499 = tpu.memref_slice %arg6[%add3A, %dma_wait3A_498] : memref<32x53248xf32, #tpu.memory_space<hbm>> -> memref<1x3328xf32, #tpu.memory_space<hbm>>
    %dma_wait3A_500 = tpu.memref_squeeze %dma_wait3A_499 : memref<1x3328xf32, #tpu.memory_space<hbm>> -> memref<3328xf32, #tpu.memory_space<hbm>>
    %dma_wait3A_501 = arith.constant 13312 : i32
    %dma_wait3A_502 = tpu.memref_slice %arg9[%dma_wait3A_501] : memref<53248xf32, #tpu.memory_space<vmem>> -> memref<3328xf32, #tpu.memory_space<vmem>>
    tpu.wait_dma2 semaphore(%arg15 : memref<!tpu.dma_semaphore, #tpu.memory_space<semaphore_mem>>) src(%dma_wait3A_502 : memref<3328xf32, #tpu.memory_space<vmem>>) dst(%dma_wait3A_500 : memref<3328xf32, #tpu.memory_space<hbm>>)
    %dma_wait3A_503 = arith.constant 16640 : i32
    %dma_wait3A_504 = tpu.memref_slice %arg9[%dma_wait3A_503] : memref<53248xf32, #tpu.memory_space<vmem>> -> memref<3328xf32, #tpu.memory_space<vmem>>
    %dma_wait3A_505 = arith.constant 16640 : i32
    %dma_wait3A_506 = tpu.memref_slice %arg6[%add3A, %dma_wait3A_505] : memref<32x53248xf32, #tpu.memory_space<hbm>> -> memref<1x3328xf32, #tpu.memory_space<hbm>>
    %dma_wait3A_507 = tpu.memref_squeeze %dma_wait3A_506 : memref<1x3328xf32, #tpu.memory_space<hbm>> -> memref<3328xf32, #tpu.memory_space<hbm>>
    %dma_wait3A_508 = arith.constant 16640 : i32
    %dma_wait3A_509 = tpu.memref_slice %arg6[%add3A, %dma_wait3A_508] : memref<32x53248xf32, #tpu.memory_space<hbm>> -> memref<1x3328xf32, #tpu.memory_space<hbm>>
    %dma_wait3A_510 = tpu.memref_squeeze %dma_wait3A_509 : memref<1x3328xf32, #tpu.memory_space<hbm>> -> memref<3328xf32, #tpu.memory_space<hbm>>
    %dma_wait3A_511 = arith.constant 16640 : i32
    %dma_wait3A_512 = tpu.memref_slice %arg9[%dma_wait3A_511] : memref<53248xf32, #tpu.memory_space<vmem>> -> memref<3328xf32, #tpu.memory_space<vmem>>
    tpu.wait_dma2 semaphore(%arg15 : memref<!tpu.dma_semaphore, #tpu.memory_space<semaphore_mem>>) src(%dma_wait3A_512 : memref<3328xf32, #tpu.memory_space<vmem>>) dst(%dma_wait3A_510 : memref<3328xf32, #tpu.memory_space<hbm>>)
    %dma_wait3A_513 = arith.constant 19968 : i32
    %dma_wait3A_514 = tpu.memref_slice %arg9[%dma_wait3A_513] : memref<53248xf32, #tpu.memory_space<vmem>> -> memref<3328xf32, #tpu.memory_space<vmem>>
    %dma_wait3A_515 = arith.constant 19968 : i32
    %dma_wait3A_516 = tpu.memref_slice %arg6[%add3A, %dma_wait3A_515] : memref<32x53248xf32, #tpu.memory_space<hbm>> -> memref<1x3328xf32, #tpu.memory_space<hbm>>
    %dma_wait3A_517 = tpu.memref_squeeze %dma_wait3A_516 : memref<1x3328xf32, #tpu.memory_space<hbm>> -> memref<3328xf32, #tpu.memory_space<hbm>>
    %dma_wait3A_518 = arith.constant 19968 : i32
    %dma_wait3A_519 = tpu.memref_slice %arg6[%add3A, %dma_wait3A_518] : memref<32x53248xf32, #tpu.memory_space<hbm>> -> memref<1x3328xf32, #tpu.memory_space<hbm>>
    %dma_wait3A_520 = tpu.memref_squeeze %dma_wait3A_519 : memref<1x3328xf32, #tpu.memory_space<hbm>> -> memref<3328xf32, #tpu.memory_space<hbm>>
    %dma_wait3A_521 = arith.constant 19968 : i32
    %dma_wait3A_522 = tpu.memref_slice %arg9[%dma_wait3A_521] : memref<53248xf32, #tpu.memory_space<vmem>> -> memref<3328xf32, #tpu.memory_space<vmem>>
    tpu.wait_dma2 semaphore(%arg15 : memref<!tpu.dma_semaphore, #tpu.memory_space<semaphore_mem>>) src(%dma_wait3A_522 : memref<3328xf32, #tpu.memory_space<vmem>>) dst(%dma_wait3A_520 : memref<3328xf32, #tpu.memory_space<hbm>>)
    %dma_wait3A_523 = arith.constant 23296 : i32
    %dma_wait3A_524 = tpu.memref_slice %arg9[%dma_wait3A_523] : memref<53248xf32, #tpu.memory_space<vmem>> -> memref<3328xf32, #tpu.memory_space<vmem>>
    %dma_wait3A_525 = arith.constant 23296 : i32
    %dma_wait3A_526 = tpu.memref_slice %arg6[%add3A, %dma_wait3A_525] : memref<32x53248xf32, #tpu.memory_space<hbm>> -> memref<1x3328xf32, #tpu.memory_space<hbm>>
    %dma_wait3A_527 = tpu.memref_squeeze %dma_wait3A_526 : memref<1x3328xf32, #tpu.memory_space<hbm>> -> memref<3328xf32, #tpu.memory_space<hbm>>
    %dma_wait3A_528 = arith.constant 23296 : i32
    %dma_wait3A_529 = tpu.memref_slice %arg6[%add3A, %dma_wait3A_528] : memref<32x53248xf32, #tpu.memory_space<hbm>> -> memref<1x3328xf32, #tpu.memory_space<hbm>>
    %dma_wait3A_530 = tpu.memref_squeeze %dma_wait3A_529 : memref<1x3328xf32, #tpu.memory_space<hbm>> -> memref<3328xf32, #tpu.memory_space<hbm>>
    %dma_wait3A_531 = arith.constant 23296 : i32
    %dma_wait3A_532 = tpu.memref_slice %arg9[%dma_wait3A_531] : memref<53248xf32, #tpu.memory_space<vmem>> -> memref<3328xf32, #tpu.memory_space<vmem>>
    tpu.wait_dma2 semaphore(%arg15 : memref<!tpu.dma_semaphore, #tpu.memory_space<semaphore_mem>>) src(%dma_wait3A_532 : memref<3328xf32, #tpu.memory_space<vmem>>) dst(%dma_wait3A_530 : memref<3328xf32, #tpu.memory_space<hbm>>)
    %dma_wait3A_533 = arith.constant 26624 : i32
    %dma_wait3A_534 = tpu.memref_slice %arg9[%dma_wait3A_533] : memref<53248xf32, #tpu.memory_space<vmem>> -> memref<3328xf32, #tpu.memory_space<vmem>>
    %dma_wait3A_535 = arith.constant 26624 : i32
    %dma_wait3A_536 = tpu.memref_slice %arg6[%add3A, %dma_wait3A_535] : memref<32x53248xf32, #tpu.memory_space<hbm>> -> memref<1x3328xf32, #tpu.memory_space<hbm>>
    %dma_wait3A_537 = tpu.memref_squeeze %dma_wait3A_536 : memref<1x3328xf32, #tpu.memory_space<hbm>> -> memref<3328xf32, #tpu.memory_space<hbm>>
    %dma_wait3A_538 = arith.constant 26624 : i32
    %dma_wait3A_539 = tpu.memref_slice %arg6[%add3A, %dma_wait3A_538] : memref<32x53248xf32, #tpu.memory_space<hbm>> -> memref<1x3328xf32, #tpu.memory_space<hbm>>
    %dma_wait3A_540 = tpu.memref_squeeze %dma_wait3A_539 : memref<1x3328xf32, #tpu.memory_space<hbm>> -> memref<3328xf32, #tpu.memory_space<hbm>>
    %dma_wait3A_541 = arith.constant 26624 : i32
    %dma_wait3A_542 = tpu.memref_slice %arg9[%dma_wait3A_541] : memref<53248xf32, #tpu.memory_space<vmem>> -> memref<3328xf32, #tpu.memory_space<vmem>>
    tpu.wait_dma2 semaphore(%arg15 : memref<!tpu.dma_semaphore, #tpu.memory_space<semaphore_mem>>) src(%dma_wait3A_542 : memref<3328xf32, #tpu.memory_space<vmem>>) dst(%dma_wait3A_540 : memref<3328xf32, #tpu.memory_space<hbm>>)
    %dma_wait3A_543 = arith.constant 29952 : i32
    %dma_wait3A_544 = tpu.memref_slice %arg9[%dma_wait3A_543] : memref<53248xf32, #tpu.memory_space<vmem>> -> memref<3328xf32, #tpu.memory_space<vmem>>
    %dma_wait3A_545 = arith.constant 29952 : i32
    %dma_wait3A_546 = tpu.memref_slice %arg6[%add3A, %dma_wait3A_545] : memref<32x53248xf32, #tpu.memory_space<hbm>> -> memref<1x3328xf32, #tpu.memory_space<hbm>>
    %dma_wait3A_547 = tpu.memref_squeeze %dma_wait3A_546 : memref<1x3328xf32, #tpu.memory_space<hbm>> -> memref<3328xf32, #tpu.memory_space<hbm>>
    %dma_wait3A_548 = arith.constant 29952 : i32
    %dma_wait3A_549 = tpu.memref_slice %arg6[%add3A, %dma_wait3A_548] : memref<32x53248xf32, #tpu.memory_space<hbm>> -> memref<1x3328xf32, #tpu.memory_space<hbm>>
    %dma_wait3A_550 = tpu.memref_squeeze %dma_wait3A_549 : memref<1x3328xf32, #tpu.memory_space<hbm>> -> memref<3328xf32, #tpu.memory_space<hbm>>
    %dma_wait3A_551 = arith.constant 29952 : i32
    %dma_wait3A_552 = tpu.memref_slice %arg9[%dma_wait3A_551] : memref<53248xf32, #tpu.memory_space<vmem>> -> memref<3328xf32, #tpu.memory_space<vmem>>
    tpu.wait_dma2 semaphore(%arg15 : memref<!tpu.dma_semaphore, #tpu.memory_space<semaphore_mem>>) src(%dma_wait3A_552 : memref<3328xf32, #tpu.memory_space<vmem>>) dst(%dma_wait3A_550 : memref<3328xf32, #tpu.memory_space<hbm>>)
    %dma_wait3A_553 = arith.constant 33280 : i32
    %dma_wait3A_554 = tpu.memref_slice %arg9[%dma_wait3A_553] : memref<53248xf32, #tpu.memory_space<vmem>> -> memref<3328xf32, #tpu.memory_space<vmem>>
    %dma_wait3A_555 = arith.constant 33280 : i32
    %dma_wait3A_556 = tpu.memref_slice %arg6[%add3A, %dma_wait3A_555] : memref<32x53248xf32, #tpu.memory_space<hbm>> -> memref<1x3328xf32, #tpu.memory_space<hbm>>
    %dma_wait3A_557 = tpu.memref_squeeze %dma_wait3A_556 : memref<1x3328xf32, #tpu.memory_space<hbm>> -> memref<3328xf32, #tpu.memory_space<hbm>>
    %dma_wait3A_558 = arith.constant 33280 : i32
    %dma_wait3A_559 = tpu.memref_slice %arg6[%add3A, %dma_wait3A_558] : memref<32x53248xf32, #tpu.memory_space<hbm>> -> memref<1x3328xf32, #tpu.memory_space<hbm>>
    %dma_wait3A_560 = tpu.memref_squeeze %dma_wait3A_559 : memref<1x3328xf32, #tpu.memory_space<hbm>> -> memref<3328xf32, #tpu.memory_space<hbm>>
    %dma_wait3A_561 = arith.constant 33280 : i32
    %dma_wait3A_562 = tpu.memref_slice %arg9[%dma_wait3A_561] : memref<53248xf32, #tpu.memory_space<vmem>> -> memref<3328xf32, #tpu.memory_space<vmem>>
    tpu.wait_dma2 semaphore(%arg15 : memref<!tpu.dma_semaphore, #tpu.memory_space<semaphore_mem>>) src(%dma_wait3A_562 : memref<3328xf32, #tpu.memory_space<vmem>>) dst(%dma_wait3A_560 : memref<3328xf32, #tpu.memory_space<hbm>>)
    %dma_wait3A_563 = arith.constant 36608 : i32
    %dma_wait3A_564 = tpu.memref_slice %arg9[%dma_wait3A_563] : memref<53248xf32, #tpu.memory_space<vmem>> -> memref<3328xf32, #tpu.memory_space<vmem>>
    %dma_wait3A_565 = arith.constant 36608 : i32
    %dma_wait3A_566 = tpu.memref_slice %arg6[%add3A, %dma_wait3A_565] : memref<32x53248xf32, #tpu.memory_space<hbm>> -> memref<1x3328xf32, #tpu.memory_space<hbm>>
    %dma_wait3A_567 = tpu.memref_squeeze %dma_wait3A_566 : memref<1x3328xf32, #tpu.memory_space<hbm>> -> memref<3328xf32, #tpu.memory_space<hbm>>
    %dma_wait3A_568 = arith.constant 36608 : i32
    %dma_wait3A_569 = tpu.memref_slice %arg6[%add3A, %dma_wait3A_568] : memref<32x53248xf32, #tpu.memory_space<hbm>> -> memref<1x3328xf32, #tpu.memory_space<hbm>>
    %dma_wait3A_570 = tpu.memref_squeeze %dma_wait3A_569 : memref<1x3328xf32, #tpu.memory_space<hbm>> -> memref<3328xf32, #tpu.memory_space<hbm>>
    %dma_wait3A_571 = arith.constant 36608 : i32
    %dma_wait3A_572 = tpu.memref_slice %arg9[%dma_wait3A_571] : memref<53248xf32, #tpu.memory_space<vmem>> -> memref<3328xf32, #tpu.memory_space<vmem>>
    tpu.wait_dma2 semaphore(%arg15 : memref<!tpu.dma_semaphore, #tpu.memory_space<semaphore_mem>>) src(%dma_wait3A_572 : memref<3328xf32, #tpu.memory_space<vmem>>) dst(%dma_wait3A_570 : memref<3328xf32, #tpu.memory_space<hbm>>)
    %dma_wait3A_573 = arith.constant 39936 : i32
    %dma_wait3A_574 = tpu.memref_slice %arg9[%dma_wait3A_573] : memref<53248xf32, #tpu.memory_space<vmem>> -> memref<3328xf32, #tpu.memory_space<vmem>>
    %dma_wait3A_575 = arith.constant 39936 : i32
    %dma_wait3A_576 = tpu.memref_slice %arg6[%add3A, %dma_wait3A_575] : memref<32x53248xf32, #tpu.memory_space<hbm>> -> memref<1x3328xf32, #tpu.memory_space<hbm>>
    %dma_wait3A_577 = tpu.memref_squeeze %dma_wait3A_576 : memref<1x3328xf32, #tpu.memory_space<hbm>> -> memref<3328xf32, #tpu.memory_space<hbm>>
    %dma_wait3A_578 = arith.constant 39936 : i32
    %dma_wait3A_579 = tpu.memref_slice %arg6[%add3A, %dma_wait3A_578] : memref<32x53248xf32, #tpu.memory_space<hbm>> -> memref<1x3328xf32, #tpu.memory_space<hbm>>
    %dma_wait3A_580 = tpu.memref_squeeze %dma_wait3A_579 : memref<1x3328xf32, #tpu.memory_space<hbm>> -> memref<3328xf32, #tpu.memory_space<hbm>>
    %dma_wait3A_581 = arith.constant 39936 : i32
    %dma_wait3A_582 = tpu.memref_slice %arg9[%dma_wait3A_581] : memref<53248xf32, #tpu.memory_space<vmem>> -> memref<3328xf32, #tpu.memory_space<vmem>>
    tpu.wait_dma2 semaphore(%arg15 : memref<!tpu.dma_semaphore, #tpu.memory_space<semaphore_mem>>) src(%dma_wait3A_582 : memref<3328xf32, #tpu.memory_space<vmem>>) dst(%dma_wait3A_580 : memref<3328xf32, #tpu.memory_space<hbm>>)
    %dma_wait3A_583 = arith.constant 43264 : i32
    %dma_wait3A_584 = tpu.memref_slice %arg9[%dma_wait3A_583] : memref<53248xf32, #tpu.memory_space<vmem>> -> memref<3328xf32, #tpu.memory_space<vmem>>
    %dma_wait3A_585 = arith.constant 43264 : i32
    %dma_wait3A_586 = tpu.memref_slice %arg6[%add3A, %dma_wait3A_585] : memref<32x53248xf32, #tpu.memory_space<hbm>> -> memref<1x3328xf32, #tpu.memory_space<hbm>>
    %dma_wait3A_587 = tpu.memref_squeeze %dma_wait3A_586 : memref<1x3328xf32, #tpu.memory_space<hbm>> -> memref<3328xf32, #tpu.memory_space<hbm>>
    %dma_wait3A_588 = arith.constant 43264 : i32
    %dma_wait3A_589 = tpu.memref_slice %arg6[%add3A, %dma_wait3A_588] : memref<32x53248xf32, #tpu.memory_space<hbm>> -> memref<1x3328xf32, #tpu.memory_space<hbm>>
    %dma_wait3A_590 = tpu.memref_squeeze %dma_wait3A_589 : memref<1x3328xf32, #tpu.memory_space<hbm>> -> memref<3328xf32, #tpu.memory_space<hbm>>
    %dma_wait3A_591 = arith.constant 43264 : i32
    %dma_wait3A_592 = tpu.memref_slice %arg9[%dma_wait3A_591] : memref<53248xf32, #tpu.memory_space<vmem>> -> memref<3328xf32, #tpu.memory_space<vmem>>
    tpu.wait_dma2 semaphore(%arg15 : memref<!tpu.dma_semaphore, #tpu.memory_space<semaphore_mem>>) src(%dma_wait3A_592 : memref<3328xf32, #tpu.memory_space<vmem>>) dst(%dma_wait3A_590 : memref<3328xf32, #tpu.memory_space<hbm>>)
    %dma_wait3A_593 = arith.constant 46592 : i32
    %dma_wait3A_594 = tpu.memref_slice %arg9[%dma_wait3A_593] : memref<53248xf32, #tpu.memory_space<vmem>> -> memref<3328xf32, #tpu.memory_space<vmem>>
    %dma_wait3A_595 = arith.constant 46592 : i32
    %dma_wait3A_596 = tpu.memref_slice %arg6[%add3A, %dma_wait3A_595] : memref<32x53248xf32, #tpu.memory_space<hbm>> -> memref<1x3328xf32, #tpu.memory_space<hbm>>
    %dma_wait3A_597 = tpu.memref_squeeze %dma_wait3A_596 : memref<1x3328xf32, #tpu.memory_space<hbm>> -> memref<3328xf32, #tpu.memory_space<hbm>>
    %dma_wait3A_598 = arith.constant 46592 : i32
    %dma_wait3A_599 = tpu.memref_slice %arg6[%add3A, %dma_wait3A_598] : memref<32x53248xf32, #tpu.memory_space<hbm>> -> memref<1x3328xf32, #tpu.memory_space<hbm>>
    %dma_wait3A_600 = tpu.memref_squeeze %dma_wait3A_599 : memref<1x3328xf32, #tpu.memory_space<hbm>> -> memref<3328xf32, #tpu.memory_space<hbm>>
    %dma_wait3A_601 = arith.constant 46592 : i32
    %dma_wait3A_602 = tpu.memref_slice %arg9[%dma_wait3A_601] : memref<53248xf32, #tpu.memory_space<vmem>> -> memref<3328xf32, #tpu.memory_space<vmem>>
    tpu.wait_dma2 semaphore(%arg15 : memref<!tpu.dma_semaphore, #tpu.memory_space<semaphore_mem>>) src(%dma_wait3A_602 : memref<3328xf32, #tpu.memory_space<vmem>>) dst(%dma_wait3A_600 : memref<3328xf32, #tpu.memory_space<hbm>>)
    %dma_wait3A_603 = arith.constant 49920 : i32
    %dma_wait3A_604 = tpu.memref_slice %arg9[%dma_wait3A_603] : memref<53248xf32, #tpu.memory_space<vmem>> -> memref<3328xf32, #tpu.memory_space<vmem>>
    %dma_wait3A_605 = arith.constant 49920 : i32
    %dma_wait3A_606 = tpu.memref_slice %arg6[%add3A, %dma_wait3A_605] : memref<32x53248xf32, #tpu.memory_space<hbm>> -> memref<1x3328xf32, #tpu.memory_space<hbm>>
    %dma_wait3A_607 = tpu.memref_squeeze %dma_wait3A_606 : memref<1x3328xf32, #tpu.memory_space<hbm>> -> memref<3328xf32, #tpu.memory_space<hbm>>
    %dma_wait3A_608 = arith.constant 49920 : i32
    %dma_wait3A_609 = tpu.memref_slice %arg6[%add3A, %dma_wait3A_608] : memref<32x53248xf32, #tpu.memory_space<hbm>> -> memref<1x3328xf32, #tpu.memory_space<hbm>>
    %dma_wait3A_610 = tpu.memref_squeeze %dma_wait3A_609 : memref<1x3328xf32, #tpu.memory_space<hbm>> -> memref<3328xf32, #tpu.memory_space<hbm>>
    %dma_wait3A_611 = arith.constant 49920 : i32
    %dma_wait3A_612 = tpu.memref_slice %arg9[%dma_wait3A_611] : memref<53248xf32, #tpu.memory_space<vmem>> -> memref<3328xf32, #tpu.memory_space<vmem>>
    tpu.wait_dma2 semaphore(%arg15 : memref<!tpu.dma_semaphore, #tpu.memory_space<semaphore_mem>>) src(%dma_wait3A_612 : memref<3328xf32, #tpu.memory_space<vmem>>) dst(%dma_wait3A_610 : memref<3328xf32, #tpu.memory_space<hbm>>)
    %dma_wait3A_613 = arith.constant 0 : i32
    %dma_wait3A_614 = tpu.memref_slice %arg7[%add3A, %dma_wait3A_613] : memref<32x3328xf32, #tpu.memory_space<hbm>> -> memref<1x3328xf32, #tpu.memory_space<hbm>>
    %dma_wait3A_615 = tpu.memref_squeeze %dma_wait3A_614 : memref<1x3328xf32, #tpu.memory_space<hbm>> -> memref<3328xf32, #tpu.memory_space<hbm>>
    %dma_wait3A_616 = arith.constant 0 : i32
    %dma_wait3A_617 = tpu.memref_slice %arg7[%add3A, %dma_wait3A_616] : memref<32x3328xf32, #tpu.memory_space<hbm>> -> memref<1x3328xf32, #tpu.memory_space<hbm>>
    %dma_wait3A_618 = tpu.memref_squeeze %dma_wait3A_617 : memref<1x3328xf32, #tpu.memory_space<hbm>> -> memref<3328xf32, #tpu.memory_space<hbm>>
    tpu.wait_dma2 semaphore(%arg15 : memref<!tpu.dma_semaphore, #tpu.memory_space<semaphore_mem>>) src(%arg11 : memref<3328xf32, #tpu.memory_space<vmem>>) dst(%dma_wait3A_618 : memref<3328xf32, #tpu.memory_space<hbm>>)
    return
  }
}

module attributes {stable_mosaic.version = 14 : i64} {
  func.func @_idx_body(%arg0: i32, %arg1: memref<512x26xi32, #tpu.memory_space<vmem>>, %arg2: memref<416x416xf32, #tpu.memory_space<vmem>>, %arg3: memref<512x416xi32, #tpu.memory_space<vmem>>) attributes {dimension_semantics = [#tpu.dimension_semantics<arbitrary>], iteration_bounds = array<i64: 8>, scalar_prefetch = 0 : i64, scratch_operands = 0 : i64, tpu.core_type = #tpu.core_type<tc>, window_params = [{transform_indices = @transform_0, window_bounds = array<i64: 512, 26>}, {pipeline_mode = #tpu.pipeline_mode<synchronous>, transform_indices = @transform_1, window_bounds = array<i64: 416, 416>}, {transform_indices = @transform_2, window_bounds = array<i64: 512, 416>}]} {
    %get3A = arith.constant 0 : index
    %get3A_0 = arith.constant 0 : index
    %get3A_1 = vector.load %arg1[%get3A, %get3A_0] : memref<512x26xi32, #tpu.memory_space<vmem>>, vector<512x26xi32>
    %convert_element_type3A = arith.sitofp %get3A_1 : vector<512x26xi32> to vector<512x26xf32>
    %tile3A = tpu.concatenate %convert_element_type3A, %convert_element_type3A, %convert_element_type3A, %convert_element_type3A, %convert_element_type3A, %convert_element_type3A, %convert_element_type3A, %convert_element_type3A, %convert_element_type3A, %convert_element_type3A, %convert_element_type3A, %convert_element_type3A, %convert_element_type3A, %convert_element_type3A, %convert_element_type3A, %convert_element_type3A in 1 : vector<512x26xf32>, vector<512x26xf32>, vector<512x26xf32>, vector<512x26xf32>, vector<512x26xf32>, vector<512x26xf32>, vector<512x26xf32>, vector<512x26xf32>, vector<512x26xf32>, vector<512x26xf32>, vector<512x26xf32>, vector<512x26xf32>, vector<512x26xf32>, vector<512x26xf32>, vector<512x26xf32>, vector<512x26xf32> -> vector<512x416xf32>
    %get3A_2 = arith.constant 0 : index
    %get3A_3 = arith.constant 0 : index
    %get3A_4 = vector.load %arg2[%get3A_2, %get3A_3] : memref<416x416xf32, #tpu.memory_space<vmem>>, vector<416x416xf32>
    %dot_general3A = arith.constant dense<0.000000e+00> : vector<512x416xf32>
    %dot_general3A_5 = tpu.matmul %tile3A, %get3A_4, %dot_general3A {dimension_numbers = #tpu.dot_dimension_numbers<[1], [0], [0], [1], [0, 0, 1, 1], [], []>, transpose_lhs_hint = false} : vector<512x416xf32>, vector<416x416xf32>, vector<512x416xf32> -> vector<512x416xf32>
    %iota3A = tpu.iota {dimensions = array<i32: 1>} : vector<1x416xi32>
    %mul3A = arith.constant 100000 : i32
    %mul3A_6 = vector.broadcast %mul3A : i32 to vector<1x416xi32>
    %mul3A_7 = arith.muli %iota3A, %mul3A_6 : vector<1x416xi32>
    %convert_element_type3A_8 = arith.fptosi %dot_general3A_5 : vector<512x416xf32> to vector<512x416xi32>
    %add3A = vector.broadcast %mul3A_7 : vector<1x416xi32> to vector<512x416xi32>
    %add3A_9 = arith.addi %convert_element_type3A_8, %add3A : vector<512x416xi32>
    %swap3A = arith.constant 0 : index
    %swap3A_10 = arith.constant 0 : index
    %swap3A_11 = vector.load %arg3[%swap3A, %swap3A_10] : memref<512x416xi32, #tpu.memory_space<vmem>>, vector<512x416xi32>
    tpu.vector_store %arg3[%swap3A, %swap3A_10], %add3A_9 {strides = array<i32>} : memref<512x416xi32, #tpu.memory_space<vmem>>, vector<512x416xi32>,
    return
  }
  func.func @transform_0(%arg0: i32) -> (i32, i32) {
    %c0_i32 = arith.constant 0 : i32
    %c0_i32_0 = arith.constant 0 : i32
    return %arg0, %c0_i32 : i32, i32
  }
  func.func @transform_1(%arg0: i32) -> (i32, i32) {
    %c0_i32 = arith.constant 0 : i32
    %c0_i32_0 = arith.constant 0 : i32
    %c0_i32_1 = arith.constant 0 : i32
    return %c0_i32, %c0_i32_0 : i32, i32
  }
  func.func @transform_2(%arg0: i32) -> (i32, i32) {
    %c0_i32 = arith.constant 0 : i32
    %c0_i32_0 = arith.constant 0 : i32
    return %arg0, %c0_i32 : i32, i32
  }
}

module attributes {stable_mosaic.version = 14 : i64} {
  func.func @_tc_body(%arg0: i32, %arg1: memref<512x416xf32, #tpu.memory_space<vmem>>, %arg2: memref<512x26xf32, #tpu.memory_space<vmem>>, %arg3: memref<512x13xf32, #tpu.memory_space<vmem>>, %arg4: memref<13x1xf32, #tpu.memory_space<vmem>>, %arg5: memref<1x1xf32, #tpu.memory_space<vmem>>, %arg6: memref<5200x200xbf16, #tpu.memory_space<vmem>>, %arg7: memref<1x200xf32, #tpu.memory_space<vmem>>, %arg8: memref<200x200xbf16, #tpu.memory_space<vmem>>, %arg9: memref<1x200xf32, #tpu.memory_space<vmem>>, %arg10: memref<200x200xbf16, #tpu.memory_space<vmem>>, %arg11: memref<1x200xf32, #tpu.memory_space<vmem>>, %arg12: memref<200x1xbf16, #tpu.memory_space<vmem>>, %arg13: memref<1x1xf32, #tpu.memory_space<vmem>>, %arg14: memref<1x1xf32, #tpu.memory_space<vmem>>, %arg15: memref<1x1xf32, #tpu.memory_space<vmem>>, %arg16: memref<1x1xf32, #tpu.memory_space<vmem>>, %arg17: memref<1x1xf32, #tpu.memory_space<vmem>>, %arg18: memref<512x1xf32, #tpu.memory_space<vmem>>, %arg19: memref<512x1xf32, #tpu.memory_space<vmem>>) attributes {dimension_semantics = [#tpu.dimension_semantics<arbitrary>], iteration_bounds = array<i64: 8>, scalar_prefetch = 0 : i64, scratch_operands = 0 : i64, tpu.core_type = #tpu.core_type<tc>, window_params = [{transform_indices = @transform_0, window_bounds = array<i64: 512, 416>}, {transform_indices = @transform_1, window_bounds = array<i64: 512, 26>}, {transform_indices = @transform_2, window_bounds = array<i64: 512, 13>}, {pipeline_mode = #tpu.pipeline_mode<synchronous>, transform_indices = @transform_3, window_bounds = array<i64: 13, 1>}, {pipeline_mode = #tpu.pipeline_mode<synchronous>, transform_indices = @transform_4, window_bounds = array<i64: 1, 1>}, {pipeline_mode = #tpu.pipeline_mode<synchronous>, transform_indices = @transform_5, window_bounds = array<i64: 5200, 200>}, {pipeline_mode = #tpu.pipeline_mode<synchronous>, transform_indices = @transform_6, window_bounds = array<i64: 1, 200>}, {pipeline_mode = #tpu.pipeline_mode<synchronous>, transform_indices = @transform_7, window_bounds = array<i64: 200, 200>}, {pipeline_mode = #tpu.pipeline_mode<synchronous>, transform_indices = @transform_8, window_bounds = array<i64: 1, 200>}, {pipeline_mode = #tpu.pipeline_mode<synchronous>, transform_indices = @transform_9, window_bounds = array<i64: 200, 200>}, {pipeline_mode = #tpu.pipeline_mode<synchronous>, transform_indices = @transform_10, window_bounds = array<i64: 1, 200>}, {pipeline_mode = #tpu.pipeline_mode<synchronous>, transform_indices = @transform_11, window_bounds = array<i64: 200, 1>}, {pipeline_mode = #tpu.pipeline_mode<synchronous>, transform_indices = @transform_12, window_bounds = array<i64: 1, 1>}, {pipeline_mode = #tpu.pipeline_mode<synchronous>, transform_indices = @transform_13, window_bounds = array<i64: 1, 1>}, {pipeline_mode = #tpu.pipeline_mode<synchronous>, transform_indices = @transform_14, window_bounds = array<i64: 1, 1>}, {pipeline_mode = #tpu.pipeline_mode<synchronous>, transform_indices = @transform_15, window_bounds = array<i64: 1, 1>}, {pipeline_mode = #tpu.pipeline_mode<synchronous>, transform_indices = @transform_16, window_bounds = array<i64: 1, 1>}, {transform_indices = @transform_17, window_bounds = array<i64: 512, 1>}, {transform_indices = @transform_18, window_bounds = array<i64: 512, 1>}]} {
    %get3A = arith.constant 0 : index
    %get3A_0 = arith.constant 0 : index
    %get3A_1 = vector.load %arg1[%get3A, %get3A_0] : memref<512x416xf32, #tpu.memory_space<vmem>>, vector<512x416xf32>
    %slice3A = vector.extract_strided_slice %get3A_1 {offsets = [0, 0], sizes = [512, 16], strides = [1, 1]} : vector<512x416xf32> to vector<512x16xf32>
    %slice3A_2 = vector.extract_strided_slice %get3A_1 {offsets = [0, 16], sizes = [512, 400], strides = [1, 1]} : vector<512x416xf32> to vector<512x400xf32>
    %tile3A = tpu.concatenate %slice3A, %slice3A, %slice3A, %slice3A, %slice3A, %slice3A, %slice3A, %slice3A, %slice3A, %slice3A, %slice3A, %slice3A, %slice3A, %slice3A, %slice3A, %slice3A, %slice3A, %slice3A, %slice3A, %slice3A, %slice3A, %slice3A, %slice3A, %slice3A, %slice3A in 1 : vector<512x16xf32>, vector<512x16xf32>, vector<512x16xf32>, vector<512x16xf32>, vector<512x16xf32>, vector<512x16xf32>, vector<512x16xf32>, vector<512x16xf32>, vector<512x16xf32>, vector<512x16xf32>, vector<512x16xf32>, vector<512x16xf32>, vector<512x16xf32>, vector<512x16xf32>, vector<512x16xf32>, vector<512x16xf32>, vector<512x16xf32>, vector<512x16xf32>, vector<512x16xf32>, vector<512x16xf32>, vector<512x16xf32>, vector<512x16xf32>, vector<512x16xf32>, vector<512x16xf32>, vector<512x16xf32> -> vector<512x400xf32>
    %mul3A = arith.mulf %tile3A, %slice3A_2 : vector<512x400xf32>
    %convert_element_type3A = arith.truncf %mul3A : vector<512x400xf32> to vector<512x400xbf16>
    %slice3A_3 = vector.extract_strided_slice %get3A_1 {offsets = [0, 16], sizes = [512, 16], strides = [1, 1]} : vector<512x416xf32> to vector<512x16xf32>
    %slice3A_4 = vector.extract_strided_slice %get3A_1 {offsets = [0, 32], sizes = [512, 384], strides = [1, 1]} : vector<512x416xf32> to vector<512x384xf32>
    %tile3A_5 = tpu.concatenate %slice3A_3, %slice3A_3, %slice3A_3, %slice3A_3, %slice3A_3, %slice3A_3, %slice3A_3, %slice3A_3, %slice3A_3, %slice3A_3, %slice3A_3, %slice3A_3, %slice3A_3, %slice3A_3, %slice3A_3, %slice3A_3, %slice3A_3, %slice3A_3, %slice3A_3, %slice3A_3, %slice3A_3, %slice3A_3, %slice3A_3, %slice3A_3 in 1 : vector<512x16xf32>, vector<512x16xf32>, vector<512x16xf32>, vector<512x16xf32>, vector<512x16xf32>, vector<512x16xf32>, vector<512x16xf32>, vector<512x16xf32>, vector<512x16xf32>, vector<512x16xf32>, vector<512x16xf32>, vector<512x16xf32>, vector<512x16xf32>, vector<512x16xf32>, vector<512x16xf32>, vector<512x16xf32>, vector<512x16xf32>, vector<512x16xf32>, vector<512x16xf32>, vector<512x16xf32>, vector<512x16xf32>, vector<512x16xf32>, vector<512x16xf32>, vector<512x16xf32> -> vector<512x384xf32>
    %mul3A_6 = arith.mulf %tile3A_5, %slice3A_4 : vector<512x384xf32>
    %convert_element_type3A_7 = arith.truncf %mul3A_6 : vector<512x384xf32> to vector<512x384xbf16>
    %slice3A_8 = vector.extract_strided_slice %get3A_1 {offsets = [0, 32], sizes = [512, 16], strides = [1, 1]} : vector<512x416xf32> to vector<512x16xf32>
    %slice3A_9 = vector.extract_strided_slice %get3A_1 {offsets = [0, 48], sizes = [512, 368], strides = [1, 1]} : vector<512x416xf32> to vector<512x368xf32>
    %tile3A_10 = tpu.concatenate %slice3A_8, %slice3A_8, %slice3A_8, %slice3A_8, %slice3A_8, %slice3A_8, %slice3A_8, %slice3A_8, %slice3A_8, %slice3A_8, %slice3A_8, %slice3A_8, %slice3A_8, %slice3A_8, %slice3A_8, %slice3A_8, %slice3A_8, %slice3A_8, %slice3A_8, %slice3A_8, %slice3A_8, %slice3A_8, %slice3A_8 in 1 : vector<512x16xf32>, vector<512x16xf32>, vector<512x16xf32>, vector<512x16xf32>, vector<512x16xf32>, vector<512x16xf32>, vector<512x16xf32>, vector<512x16xf32>, vector<512x16xf32>, vector<512x16xf32>, vector<512x16xf32>, vector<512x16xf32>, vector<512x16xf32>, vector<512x16xf32>, vector<512x16xf32>, vector<512x16xf32>, vector<512x16xf32>, vector<512x16xf32>, vector<512x16xf32>, vector<512x16xf32>, vector<512x16xf32>, vector<512x16xf32>, vector<512x16xf32> -> vector<512x368xf32>
    %mul3A_11 = arith.mulf %tile3A_10, %slice3A_9 : vector<512x368xf32>
    %convert_element_type3A_12 = arith.truncf %mul3A_11 : vector<512x368xf32> to vector<512x368xbf16>
    %slice3A_13 = vector.extract_strided_slice %get3A_1 {offsets = [0, 48], sizes = [512, 16], strides = [1, 1]} : vector<512x416xf32> to vector<512x16xf32>
    %slice3A_14 = vector.extract_strided_slice %get3A_1 {offsets = [0, 64], sizes = [512, 352], strides = [1, 1]} : vector<512x416xf32> to vector<512x352xf32>
    %tile3A_15 = tpu.concatenate %slice3A_13, %slice3A_13, %slice3A_13, %slice3A_13, %slice3A_13, %slice3A_13, %slice3A_13, %slice3A_13, %slice3A_13, %slice3A_13, %slice3A_13, %slice3A_13, %slice3A_13, %slice3A_13, %slice3A_13, %slice3A_13, %slice3A_13, %slice3A_13, %slice3A_13, %slice3A_13, %slice3A_13, %slice3A_13 in 1 : vector<512x16xf32>, vector<512x16xf32>, vector<512x16xf32>, vector<512x16xf32>, vector<512x16xf32>, vector<512x16xf32>, vector<512x16xf32>, vector<512x16xf32>, vector<512x16xf32>, vector<512x16xf32>, vector<512x16xf32>, vector<512x16xf32>, vector<512x16xf32>, vector<512x16xf32>, vector<512x16xf32>, vector<512x16xf32>, vector<512x16xf32>, vector<512x16xf32>, vector<512x16xf32>, vector<512x16xf32>, vector<512x16xf32>, vector<512x16xf32> -> vector<512x352xf32>
    %mul3A_16 = arith.mulf %tile3A_15, %slice3A_14 : vector<512x352xf32>
    %convert_element_type3A_17 = arith.truncf %mul3A_16 : vector<512x352xf32> to vector<512x352xbf16>
    %slice3A_18 = vector.extract_strided_slice %get3A_1 {offsets = [0, 64], sizes = [512, 16], strides = [1, 1]} : vector<512x416xf32> to vector<512x16xf32>
    %slice3A_19 = vector.extract_strided_slice %get3A_1 {offsets = [0, 80], sizes = [512, 336], strides = [1, 1]} : vector<512x416xf32> to vector<512x336xf32>
    %tile3A_20 = tpu.concatenate %slice3A_18, %slice3A_18, %slice3A_18, %slice3A_18, %slice3A_18, %slice3A_18, %slice3A_18, %slice3A_18, %slice3A_18, %slice3A_18, %slice3A_18, %slice3A_18, %slice3A_18, %slice3A_18, %slice3A_18, %slice3A_18, %slice3A_18, %slice3A_18, %slice3A_18, %slice3A_18, %slice3A_18 in 1 : vector<512x16xf32>, vector<512x16xf32>, vector<512x16xf32>, vector<512x16xf32>, vector<512x16xf32>, vector<512x16xf32>, vector<512x16xf32>, vector<512x16xf32>, vector<512x16xf32>, vector<512x16xf32>, vector<512x16xf32>, vector<512x16xf32>, vector<512x16xf32>, vector<512x16xf32>, vector<512x16xf32>, vector<512x16xf32>, vector<512x16xf32>, vector<512x16xf32>, vector<512x16xf32>, vector<512x16xf32>, vector<512x16xf32> -> vector<512x336xf32>
    %mul3A_21 = arith.mulf %tile3A_20, %slice3A_19 : vector<512x336xf32>
    %convert_element_type3A_22 = arith.truncf %mul3A_21 : vector<512x336xf32> to vector<512x336xbf16>
    %slice3A_23 = vector.extract_strided_slice %get3A_1 {offsets = [0, 80], sizes = [512, 16], strides = [1, 1]} : vector<512x416xf32> to vector<512x16xf32>
    %slice3A_24 = vector.extract_strided_slice %get3A_1 {offsets = [0, 96], sizes = [512, 320], strides = [1, 1]} : vector<512x416xf32> to vector<512x320xf32>
    %tile3A_25 = tpu.concatenate %slice3A_23, %slice3A_23, %slice3A_23, %slice3A_23, %slice3A_23, %slice3A_23, %slice3A_23, %slice3A_23, %slice3A_23, %slice3A_23, %slice3A_23, %slice3A_23, %slice3A_23, %slice3A_23, %slice3A_23, %slice3A_23, %slice3A_23, %slice3A_23, %slice3A_23, %slice3A_23 in 1 : vector<512x16xf32>, vector<512x16xf32>, vector<512x16xf32>, vector<512x16xf32>, vector<512x16xf32>, vector<512x16xf32>, vector<512x16xf32>, vector<512x16xf32>, vector<512x16xf32>, vector<512x16xf32>, vector<512x16xf32>, vector<512x16xf32>, vector<512x16xf32>, vector<512x16xf32>, vector<512x16xf32>, vector<512x16xf32>, vector<512x16xf32>, vector<512x16xf32>, vector<512x16xf32>, vector<512x16xf32> -> vector<512x320xf32>
    %mul3A_26 = arith.mulf %tile3A_25, %slice3A_24 : vector<512x320xf32>
    %convert_element_type3A_27 = arith.truncf %mul3A_26 : vector<512x320xf32> to vector<512x320xbf16>
    %slice3A_28 = vector.extract_strided_slice %get3A_1 {offsets = [0, 96], sizes = [512, 16], strides = [1, 1]} : vector<512x416xf32> to vector<512x16xf32>
    %slice3A_29 = vector.extract_strided_slice %get3A_1 {offsets = [0, 112], sizes = [512, 304], strides = [1, 1]} : vector<512x416xf32> to vector<512x304xf32>
    %tile3A_30 = tpu.concatenate %slice3A_28, %slice3A_28, %slice3A_28, %slice3A_28, %slice3A_28, %slice3A_28, %slice3A_28, %slice3A_28, %slice3A_28, %slice3A_28, %slice3A_28, %slice3A_28, %slice3A_28, %slice3A_28, %slice3A_28, %slice3A_28, %slice3A_28, %slice3A_28, %slice3A_28 in 1 : vector<512x16xf32>, vector<512x16xf32>, vector<512x16xf32>, vector<512x16xf32>, vector<512x16xf32>, vector<512x16xf32>, vector<512x16xf32>, vector<512x16xf32>, vector<512x16xf32>, vector<512x16xf32>, vector<512x16xf32>, vector<512x16xf32>, vector<512x16xf32>, vector<512x16xf32>, vector<512x16xf32>, vector<512x16xf32>, vector<512x16xf32>, vector<512x16xf32>, vector<512x16xf32> -> vector<512x304xf32>
    %mul3A_31 = arith.mulf %tile3A_30, %slice3A_29 : vector<512x304xf32>
    %convert_element_type3A_32 = arith.truncf %mul3A_31 : vector<512x304xf32> to vector<512x304xbf16>
    %slice3A_33 = vector.extract_strided_slice %get3A_1 {offsets = [0, 112], sizes = [512, 16], strides = [1, 1]} : vector<512x416xf32> to vector<512x16xf32>
    %slice3A_34 = vector.extract_strided_slice %get3A_1 {offsets = [0, 128], sizes = [512, 288], strides = [1, 1]} : vector<512x416xf32> to vector<512x288xf32>
    %tile3A_35 = tpu.concatenate %slice3A_33, %slice3A_33, %slice3A_33, %slice3A_33, %slice3A_33, %slice3A_33, %slice3A_33, %slice3A_33, %slice3A_33, %slice3A_33, %slice3A_33, %slice3A_33, %slice3A_33, %slice3A_33, %slice3A_33, %slice3A_33, %slice3A_33, %slice3A_33 in 1 : vector<512x16xf32>, vector<512x16xf32>, vector<512x16xf32>, vector<512x16xf32>, vector<512x16xf32>, vector<512x16xf32>, vector<512x16xf32>, vector<512x16xf32>, vector<512x16xf32>, vector<512x16xf32>, vector<512x16xf32>, vector<512x16xf32>, vector<512x16xf32>, vector<512x16xf32>, vector<512x16xf32>, vector<512x16xf32>, vector<512x16xf32>, vector<512x16xf32> -> vector<512x288xf32>
    %mul3A_36 = arith.mulf %tile3A_35, %slice3A_34 : vector<512x288xf32>
    %convert_element_type3A_37 = arith.truncf %mul3A_36 : vector<512x288xf32> to vector<512x288xbf16>
    %slice3A_38 = vector.extract_strided_slice %get3A_1 {offsets = [0, 128], sizes = [512, 16], strides = [1, 1]} : vector<512x416xf32> to vector<512x16xf32>
    %slice3A_39 = vector.extract_strided_slice %get3A_1 {offsets = [0, 144], sizes = [512, 272], strides = [1, 1]} : vector<512x416xf32> to vector<512x272xf32>
    %tile3A_40 = tpu.concatenate %slice3A_38, %slice3A_38, %slice3A_38, %slice3A_38, %slice3A_38, %slice3A_38, %slice3A_38, %slice3A_38, %slice3A_38, %slice3A_38, %slice3A_38, %slice3A_38, %slice3A_38, %slice3A_38, %slice3A_38, %slice3A_38, %slice3A_38 in 1 : vector<512x16xf32>, vector<512x16xf32>, vector<512x16xf32>, vector<512x16xf32>, vector<512x16xf32>, vector<512x16xf32>, vector<512x16xf32>, vector<512x16xf32>, vector<512x16xf32>, vector<512x16xf32>, vector<512x16xf32>, vector<512x16xf32>, vector<512x16xf32>, vector<512x16xf32>, vector<512x16xf32>, vector<512x16xf32>, vector<512x16xf32> -> vector<512x272xf32>
    %mul3A_41 = arith.mulf %tile3A_40, %slice3A_39 : vector<512x272xf32>
    %convert_element_type3A_42 = arith.truncf %mul3A_41 : vector<512x272xf32> to vector<512x272xbf16>
    %slice3A_43 = vector.extract_strided_slice %get3A_1 {offsets = [0, 144], sizes = [512, 16], strides = [1, 1]} : vector<512x416xf32> to vector<512x16xf32>
    %slice3A_44 = vector.extract_strided_slice %get3A_1 {offsets = [0, 160], sizes = [512, 256], strides = [1, 1]} : vector<512x416xf32> to vector<512x256xf32>
    %tile3A_45 = tpu.concatenate %slice3A_43, %slice3A_43, %slice3A_43, %slice3A_43, %slice3A_43, %slice3A_43, %slice3A_43, %slice3A_43, %slice3A_43, %slice3A_43, %slice3A_43, %slice3A_43, %slice3A_43, %slice3A_43, %slice3A_43, %slice3A_43 in 1 : vector<512x16xf32>, vector<512x16xf32>, vector<512x16xf32>, vector<512x16xf32>, vector<512x16xf32>, vector<512x16xf32>, vector<512x16xf32>, vector<512x16xf32>, vector<512x16xf32>, vector<512x16xf32>, vector<512x16xf32>, vector<512x16xf32>, vector<512x16xf32>, vector<512x16xf32>, vector<512x16xf32>, vector<512x16xf32> -> vector<512x256xf32>
    %mul3A_46 = arith.mulf %tile3A_45, %slice3A_44 : vector<512x256xf32>
    %convert_element_type3A_47 = arith.truncf %mul3A_46 : vector<512x256xf32> to vector<512x256xbf16>
    %slice3A_48 = vector.extract_strided_slice %get3A_1 {offsets = [0, 160], sizes = [512, 16], strides = [1, 1]} : vector<512x416xf32> to vector<512x16xf32>
    %slice3A_49 = vector.extract_strided_slice %get3A_1 {offsets = [0, 176], sizes = [512, 240], strides = [1, 1]} : vector<512x416xf32> to vector<512x240xf32>
    %tile3A_50 = tpu.concatenate %slice3A_48, %slice3A_48, %slice3A_48, %slice3A_48, %slice3A_48, %slice3A_48, %slice3A_48, %slice3A_48, %slice3A_48, %slice3A_48, %slice3A_48, %slice3A_48, %slice3A_48, %slice3A_48, %slice3A_48 in 1 : vector<512x16xf32>, vector<512x16xf32>, vector<512x16xf32>, vector<512x16xf32>, vector<512x16xf32>, vector<512x16xf32>, vector<512x16xf32>, vector<512x16xf32>, vector<512x16xf32>, vector<512x16xf32>, vector<512x16xf32>, vector<512x16xf32>, vector<512x16xf32>, vector<512x16xf32>, vector<512x16xf32> -> vector<512x240xf32>
    %mul3A_51 = arith.mulf %tile3A_50, %slice3A_49 : vector<512x240xf32>
    %convert_element_type3A_52 = arith.truncf %mul3A_51 : vector<512x240xf32> to vector<512x240xbf16>
    %slice3A_53 = vector.extract_strided_slice %get3A_1 {offsets = [0, 176], sizes = [512, 16], strides = [1, 1]} : vector<512x416xf32> to vector<512x16xf32>
    %slice3A_54 = vector.extract_strided_slice %get3A_1 {offsets = [0, 192], sizes = [512, 224], strides = [1, 1]} : vector<512x416xf32> to vector<512x224xf32>
    %tile3A_55 = tpu.concatenate %slice3A_53, %slice3A_53, %slice3A_53, %slice3A_53, %slice3A_53, %slice3A_53, %slice3A_53, %slice3A_53, %slice3A_53, %slice3A_53, %slice3A_53, %slice3A_53, %slice3A_53, %slice3A_53 in 1 : vector<512x16xf32>, vector<512x16xf32>, vector<512x16xf32>, vector<512x16xf32>, vector<512x16xf32>, vector<512x16xf32>, vector<512x16xf32>, vector<512x16xf32>, vector<512x16xf32>, vector<512x16xf32>, vector<512x16xf32>, vector<512x16xf32>, vector<512x16xf32>, vector<512x16xf32> -> vector<512x224xf32>
    %mul3A_56 = arith.mulf %tile3A_55, %slice3A_54 : vector<512x224xf32>
    %convert_element_type3A_57 = arith.truncf %mul3A_56 : vector<512x224xf32> to vector<512x224xbf16>
    %slice3A_58 = vector.extract_strided_slice %get3A_1 {offsets = [0, 192], sizes = [512, 16], strides = [1, 1]} : vector<512x416xf32> to vector<512x16xf32>
    %slice3A_59 = vector.extract_strided_slice %get3A_1 {offsets = [0, 208], sizes = [512, 208], strides = [1, 1]} : vector<512x416xf32> to vector<512x208xf32>
    %tile3A_60 = tpu.concatenate %slice3A_58, %slice3A_58, %slice3A_58, %slice3A_58, %slice3A_58, %slice3A_58, %slice3A_58, %slice3A_58, %slice3A_58, %slice3A_58, %slice3A_58, %slice3A_58, %slice3A_58 in 1 : vector<512x16xf32>, vector<512x16xf32>, vector<512x16xf32>, vector<512x16xf32>, vector<512x16xf32>, vector<512x16xf32>, vector<512x16xf32>, vector<512x16xf32>, vector<512x16xf32>, vector<512x16xf32>, vector<512x16xf32>, vector<512x16xf32>, vector<512x16xf32> -> vector<512x208xf32>
    %mul3A_61 = arith.mulf %tile3A_60, %slice3A_59 : vector<512x208xf32>
    %convert_element_type3A_62 = arith.truncf %mul3A_61 : vector<512x208xf32> to vector<512x208xbf16>
    %slice3A_63 = vector.extract_strided_slice %get3A_1 {offsets = [0, 208], sizes = [512, 16], strides = [1, 1]} : vector<512x416xf32> to vector<512x16xf32>
    %slice3A_64 = vector.extract_strided_slice %get3A_1 {offsets = [0, 224], sizes = [512, 192], strides = [1, 1]} : vector<512x416xf32> to vector<512x192xf32>
    %tile3A_65 = tpu.concatenate %slice3A_63, %slice3A_63, %slice3A_63, %slice3A_63, %slice3A_63, %slice3A_63, %slice3A_63, %slice3A_63, %slice3A_63, %slice3A_63, %slice3A_63, %slice3A_63 in 1 : vector<512x16xf32>, vector<512x16xf32>, vector<512x16xf32>, vector<512x16xf32>, vector<512x16xf32>, vector<512x16xf32>, vector<512x16xf32>, vector<512x16xf32>, vector<512x16xf32>, vector<512x16xf32>, vector<512x16xf32>, vector<512x16xf32> -> vector<512x192xf32>
    %mul3A_66 = arith.mulf %tile3A_65, %slice3A_64 : vector<512x192xf32>
    %convert_element_type3A_67 = arith.truncf %mul3A_66 : vector<512x192xf32> to vector<512x192xbf16>
    %slice3A_68 = vector.extract_strided_slice %get3A_1 {offsets = [0, 224], sizes = [512, 16], strides = [1, 1]} : vector<512x416xf32> to vector<512x16xf32>
    %slice3A_69 = vector.extract_strided_slice %get3A_1 {offsets = [0, 240], sizes = [512, 176], strides = [1, 1]} : vector<512x416xf32> to vector<512x176xf32>
    %tile3A_70 = tpu.concatenate %slice3A_68, %slice3A_68, %slice3A_68, %slice3A_68, %slice3A_68, %slice3A_68, %slice3A_68, %slice3A_68, %slice3A_68, %slice3A_68, %slice3A_68 in 1 : vector<512x16xf32>, vector<512x16xf32>, vector<512x16xf32>, vector<512x16xf32>, vector<512x16xf32>, vector<512x16xf32>, vector<512x16xf32>, vector<512x16xf32>, vector<512x16xf32>, vector<512x16xf32>, vector<512x16xf32> -> vector<512x176xf32>
    %mul3A_71 = arith.mulf %tile3A_70, %slice3A_69 : vector<512x176xf32>
    %convert_element_type3A_72 = arith.truncf %mul3A_71 : vector<512x176xf32> to vector<512x176xbf16>
    %slice3A_73 = vector.extract_strided_slice %get3A_1 {offsets = [0, 240], sizes = [512, 16], strides = [1, 1]} : vector<512x416xf32> to vector<512x16xf32>
    %slice3A_74 = vector.extract_strided_slice %get3A_1 {offsets = [0, 256], sizes = [512, 160], strides = [1, 1]} : vector<512x416xf32> to vector<512x160xf32>
    %tile3A_75 = tpu.concatenate %slice3A_73, %slice3A_73, %slice3A_73, %slice3A_73, %slice3A_73, %slice3A_73, %slice3A_73, %slice3A_73, %slice3A_73, %slice3A_73 in 1 : vector<512x16xf32>, vector<512x16xf32>, vector<512x16xf32>, vector<512x16xf32>, vector<512x16xf32>, vector<512x16xf32>, vector<512x16xf32>, vector<512x16xf32>, vector<512x16xf32>, vector<512x16xf32> -> vector<512x160xf32>
    %mul3A_76 = arith.mulf %tile3A_75, %slice3A_74 : vector<512x160xf32>
    %convert_element_type3A_77 = arith.truncf %mul3A_76 : vector<512x160xf32> to vector<512x160xbf16>
    %slice3A_78 = vector.extract_strided_slice %get3A_1 {offsets = [0, 256], sizes = [512, 16], strides = [1, 1]} : vector<512x416xf32> to vector<512x16xf32>
    %slice3A_79 = vector.extract_strided_slice %get3A_1 {offsets = [0, 272], sizes = [512, 144], strides = [1, 1]} : vector<512x416xf32> to vector<512x144xf32>
    %tile3A_80 = tpu.concatenate %slice3A_78, %slice3A_78, %slice3A_78, %slice3A_78, %slice3A_78, %slice3A_78, %slice3A_78, %slice3A_78, %slice3A_78 in 1 : vector<512x16xf32>, vector<512x16xf32>, vector<512x16xf32>, vector<512x16xf32>, vector<512x16xf32>, vector<512x16xf32>, vector<512x16xf32>, vector<512x16xf32>, vector<512x16xf32> -> vector<512x144xf32>
    %mul3A_81 = arith.mulf %tile3A_80, %slice3A_79 : vector<512x144xf32>
    %convert_element_type3A_82 = arith.truncf %mul3A_81 : vector<512x144xf32> to vector<512x144xbf16>
    %slice3A_83 = vector.extract_strided_slice %get3A_1 {offsets = [0, 272], sizes = [512, 16], strides = [1, 1]} : vector<512x416xf32> to vector<512x16xf32>
    %slice3A_84 = vector.extract_strided_slice %get3A_1 {offsets = [0, 288], sizes = [512, 128], strides = [1, 1]} : vector<512x416xf32> to vector<512x128xf32>
    %tile3A_85 = tpu.concatenate %slice3A_83, %slice3A_83, %slice3A_83, %slice3A_83, %slice3A_83, %slice3A_83, %slice3A_83, %slice3A_83 in 1 : vector<512x16xf32>, vector<512x16xf32>, vector<512x16xf32>, vector<512x16xf32>, vector<512x16xf32>, vector<512x16xf32>, vector<512x16xf32>, vector<512x16xf32> -> vector<512x128xf32>
    %mul3A_86 = arith.mulf %tile3A_85, %slice3A_84 : vector<512x128xf32>
    %convert_element_type3A_87 = arith.truncf %mul3A_86 : vector<512x128xf32> to vector<512x128xbf16>
    %slice3A_88 = vector.extract_strided_slice %get3A_1 {offsets = [0, 288], sizes = [512, 16], strides = [1, 1]} : vector<512x416xf32> to vector<512x16xf32>
    %slice3A_89 = vector.extract_strided_slice %get3A_1 {offsets = [0, 304], sizes = [512, 112], strides = [1, 1]} : vector<512x416xf32> to vector<512x112xf32>
    %tile3A_90 = tpu.concatenate %slice3A_88, %slice3A_88, %slice3A_88, %slice3A_88, %slice3A_88, %slice3A_88, %slice3A_88 in 1 : vector<512x16xf32>, vector<512x16xf32>, vector<512x16xf32>, vector<512x16xf32>, vector<512x16xf32>, vector<512x16xf32>, vector<512x16xf32> -> vector<512x112xf32>
    %mul3A_91 = arith.mulf %tile3A_90, %slice3A_89 : vector<512x112xf32>
    %convert_element_type3A_92 = arith.truncf %mul3A_91 : vector<512x112xf32> to vector<512x112xbf16>
    %slice3A_93 = vector.extract_strided_slice %get3A_1 {offsets = [0, 304], sizes = [512, 16], strides = [1, 1]} : vector<512x416xf32> to vector<512x16xf32>
    %slice3A_94 = vector.extract_strided_slice %get3A_1 {offsets = [0, 320], sizes = [512, 96], strides = [1, 1]} : vector<512x416xf32> to vector<512x96xf32>
    %tile3A_95 = tpu.concatenate %slice3A_93, %slice3A_93, %slice3A_93, %slice3A_93, %slice3A_93, %slice3A_93 in 1 : vector<512x16xf32>, vector<512x16xf32>, vector<512x16xf32>, vector<512x16xf32>, vector<512x16xf32>, vector<512x16xf32> -> vector<512x96xf32>
    %mul3A_96 = arith.mulf %tile3A_95, %slice3A_94 : vector<512x96xf32>
    %convert_element_type3A_97 = arith.truncf %mul3A_96 : vector<512x96xf32> to vector<512x96xbf16>
    %slice3A_98 = vector.extract_strided_slice %get3A_1 {offsets = [0, 320], sizes = [512, 16], strides = [1, 1]} : vector<512x416xf32> to vector<512x16xf32>
    %slice3A_99 = vector.extract_strided_slice %get3A_1 {offsets = [0, 336], sizes = [512, 80], strides = [1, 1]} : vector<512x416xf32> to vector<512x80xf32>
    %tile3A_100 = tpu.concatenate %slice3A_98, %slice3A_98, %slice3A_98, %slice3A_98, %slice3A_98 in 1 : vector<512x16xf32>, vector<512x16xf32>, vector<512x16xf32>, vector<512x16xf32>, vector<512x16xf32> -> vector<512x80xf32>
    %mul3A_101 = arith.mulf %tile3A_100, %slice3A_99 : vector<512x80xf32>
    %convert_element_type3A_102 = arith.truncf %mul3A_101 : vector<512x80xf32> to vector<512x80xbf16>
    %slice3A_103 = vector.extract_strided_slice %get3A_1 {offsets = [0, 336], sizes = [512, 16], strides = [1, 1]} : vector<512x416xf32> to vector<512x16xf32>
    %slice3A_104 = vector.extract_strided_slice %get3A_1 {offsets = [0, 352], sizes = [512, 64], strides = [1, 1]} : vector<512x416xf32> to vector<512x64xf32>
    %tile3A_105 = tpu.concatenate %slice3A_103, %slice3A_103, %slice3A_103, %slice3A_103 in 1 : vector<512x16xf32>, vector<512x16xf32>, vector<512x16xf32>, vector<512x16xf32> -> vector<512x64xf32>
    %mul3A_106 = arith.mulf %tile3A_105, %slice3A_104 : vector<512x64xf32>
    %convert_element_type3A_107 = arith.truncf %mul3A_106 : vector<512x64xf32> to vector<512x64xbf16>
    %slice3A_108 = vector.extract_strided_slice %get3A_1 {offsets = [0, 352], sizes = [512, 16], strides = [1, 1]} : vector<512x416xf32> to vector<512x16xf32>
    %slice3A_109 = vector.extract_strided_slice %get3A_1 {offsets = [0, 368], sizes = [512, 48], strides = [1, 1]} : vector<512x416xf32> to vector<512x48xf32>
    %tile3A_110 = tpu.concatenate %slice3A_108, %slice3A_108, %slice3A_108 in 1 : vector<512x16xf32>, vector<512x16xf32>, vector<512x16xf32> -> vector<512x48xf32>
    %mul3A_111 = arith.mulf %tile3A_110, %slice3A_109 : vector<512x48xf32>
    %convert_element_type3A_112 = arith.truncf %mul3A_111 : vector<512x48xf32> to vector<512x48xbf16>
    %slice3A_113 = vector.extract_strided_slice %get3A_1 {offsets = [0, 368], sizes = [512, 16], strides = [1, 1]} : vector<512x416xf32> to vector<512x16xf32>
    %slice3A_114 = vector.extract_strided_slice %get3A_1 {offsets = [0, 384], sizes = [512, 32], strides = [1, 1]} : vector<512x416xf32> to vector<512x32xf32>
    %tile3A_115 = tpu.concatenate %slice3A_113, %slice3A_113 in 1 : vector<512x16xf32>, vector<512x16xf32> -> vector<512x32xf32>
    %mul3A_116 = arith.mulf %tile3A_115, %slice3A_114 : vector<512x32xf32>
    %convert_element_type3A_117 = arith.truncf %mul3A_116 : vector<512x32xf32> to vector<512x32xbf16>
    %slice3A_118 = vector.extract_strided_slice %get3A_1 {offsets = [0, 384], sizes = [512, 16], strides = [1, 1]} : vector<512x416xf32> to vector<512x16xf32>
    %slice3A_119 = vector.extract_strided_slice %get3A_1 {offsets = [0, 400], sizes = [512, 16], strides = [1, 1]} : vector<512x416xf32> to vector<512x16xf32>
    %mul3A_120 = arith.mulf %slice3A_118, %slice3A_119 : vector<512x16xf32>
    %convert_element_type3A_121 = arith.truncf %mul3A_120 : vector<512x16xf32> to vector<512x16xbf16>
    %concatenate3A = tpu.concatenate %convert_element_type3A, %convert_element_type3A_7, %convert_element_type3A_12, %convert_element_type3A_17, %convert_element_type3A_22, %convert_element_type3A_27, %convert_element_type3A_32, %convert_element_type3A_37, %convert_element_type3A_42, %convert_element_type3A_47, %convert_element_type3A_52, %convert_element_type3A_57, %convert_element_type3A_62, %convert_element_type3A_67, %convert_element_type3A_72, %convert_element_type3A_77, %convert_element_type3A_82, %convert_element_type3A_87, %convert_element_type3A_92, %convert_element_type3A_97, %convert_element_type3A_102, %convert_element_type3A_107, %convert_element_type3A_112, %convert_element_type3A_117, %convert_element_type3A_121 in 1 : vector<512x400xbf16>, vector<512x384xbf16>, vector<512x368xbf16>, vector<512x352xbf16>, vector<512x336xbf16>, vector<512x320xbf16>, vector<512x304xbf16>, vector<512x288xbf16>, vector<512x272xbf16>, vector<512x256xbf16>, vector<512x240xbf16>, vector<512x224xbf16>, vector<512x208xbf16>, vector<512x192xbf16>, vector<512x176xbf16>, vector<512x160xbf16>, vector<512x144xbf16>, vector<512x128xbf16>, vector<512x112xbf16>, vector<512x96xbf16>, vector<512x80xbf16>, vector<512x64xbf16>, vector<512x48xbf16>, vector<512x32xbf16>, vector<512x16xbf16> -> vector<512x5200xbf16>
    %get3A_122 = arith.constant 0 : index
    %get3A_123 = arith.constant 0 : index
    %get3A_124 = vector.load %arg6[%get3A_122, %get3A_123] : memref<5200x200xbf16, #tpu.memory_space<vmem>>, vector<5200x200xbf16>
    %dot_general3A = arith.constant dense<0.000000e+00> : vector<512x200xf32>
    %dot_general3A_125 = tpu.matmul %concatenate3A, %get3A_124, %dot_general3A {dimension_numbers = #tpu.dot_dimension_numbers<[1], [0], [0], [1], [0, 0, 1, 1], [], []>, transpose_lhs_hint = false} : vector<512x5200xbf16>, vector<5200x200xbf16>, vector<512x200xf32> -> vector<512x200xf32>
    %get3A_126 = arith.constant 0 : index
    %get3A_127 = arith.constant 0 : index
    %get3A_128 = vector.load %arg7[%get3A_126, %get3A_127] : memref<1x200xf32, #tpu.memory_space<vmem>>, vector<1x200xf32>
    %add3A = vector.broadcast %get3A_128 : vector<1x200xf32> to vector<512x200xf32>
    %add3A_129 = arith.addf %dot_general3A_125, %add3A : vector<512x200xf32>
    %max3A = arith.constant 0.000000e+00 : f32
    %max3A_130 = vector.broadcast %max3A : f32 to vector<512x200xf32>
    %max3A_131 = arith.maximumf %add3A_129, %max3A_130 : vector<512x200xf32>
    %convert_element_type3A_132 = arith.truncf %max3A_131 : vector<512x200xf32> to vector<512x200xbf16>
    %get3A_133 = arith.constant 0 : index
    %get3A_134 = arith.constant 0 : index
    %get3A_135 = vector.load %arg8[%get3A_133, %get3A_134] : memref<200x200xbf16, #tpu.memory_space<vmem>>, vector<200x200xbf16>
    %dot_general3A_136 = arith.constant dense<0.000000e+00> : vector<512x200xf32>
    %dot_general3A_137 = tpu.matmul %convert_element_type3A_132, %get3A_135, %dot_general3A_136 {dimension_numbers = #tpu.dot_dimension_numbers<[1], [0], [0], [1], [0, 0, 1, 1], [], []>, transpose_lhs_hint = false} : vector<512x200xbf16>, vector<200x200xbf16>, vector<512x200xf32> -> vector<512x200xf32>
    %get3A_138 = arith.constant 0 : index
    %get3A_139 = arith.constant 0 : index
    %get3A_140 = vector.load %arg9[%get3A_138, %get3A_139] : memref<1x200xf32, #tpu.memory_space<vmem>>, vector<1x200xf32>
    %add3A_141 = vector.broadcast %get3A_140 : vector<1x200xf32> to vector<512x200xf32>
    %add3A_142 = arith.addf %dot_general3A_137, %add3A_141 : vector<512x200xf32>
    %max3A_143 = arith.constant 0.000000e+00 : f32
    %max3A_144 = vector.broadcast %max3A_143 : f32 to vector<512x200xf32>
    %max3A_145 = arith.maximumf %add3A_142, %max3A_144 : vector<512x200xf32>
    %convert_element_type3A_146 = arith.truncf %max3A_145 : vector<512x200xf32> to vector<512x200xbf16>
    %get3A_147 = arith.constant 0 : index
    %get3A_148 = arith.constant 0 : index
    %get3A_149 = vector.load %arg10[%get3A_147, %get3A_148] : memref<200x200xbf16, #tpu.memory_space<vmem>>, vector<200x200xbf16>
    %dot_general3A_150 = arith.constant dense<0.000000e+00> : vector<512x200xf32>
    %dot_general3A_151 = tpu.matmul %convert_element_type3A_146, %get3A_149, %dot_general3A_150 {dimension_numbers = #tpu.dot_dimension_numbers<[1], [0], [0], [1], [0, 0, 1, 1], [], []>, transpose_lhs_hint = false} : vector<512x200xbf16>, vector<200x200xbf16>, vector<512x200xf32> -> vector<512x200xf32>
    %get3A_152 = arith.constant 0 : index
    %get3A_153 = arith.constant 0 : index
    %get3A_154 = vector.load %arg11[%get3A_152, %get3A_153] : memref<1x200xf32, #tpu.memory_space<vmem>>, vector<1x200xf32>
    %add3A_155 = vector.broadcast %get3A_154 : vector<1x200xf32> to vector<512x200xf32>
    %add3A_156 = arith.addf %dot_general3A_151, %add3A_155 : vector<512x200xf32>
    %max3A_157 = arith.constant 0.000000e+00 : f32
    %max3A_158 = vector.broadcast %max3A_157 : f32 to vector<512x200xf32>
    %max3A_159 = arith.maximumf %add3A_156, %max3A_158 : vector<512x200xf32>
    %convert_element_type3A_160 = arith.truncf %max3A_159 : vector<512x200xf32> to vector<512x200xbf16>
    %get3A_161 = arith.constant 0 : index
    %get3A_162 = arith.constant 0 : index
    %get3A_163 = vector.load %arg12[%get3A_161, %get3A_162] : memref<200x1xbf16, #tpu.memory_space<vmem>>, vector<200x1xbf16>
    %dot_general3A_164 = arith.constant dense<0.000000e+00> : vector<512x1xf32>
    %dot_general3A_165 = tpu.matmul %convert_element_type3A_160, %get3A_163, %dot_general3A_164 {dimension_numbers = #tpu.dot_dimension_numbers<[1], [0], [0], [1], [0, 0, 1, 1], [], []>, transpose_lhs_hint = false} : vector<512x200xbf16>, vector<200x1xbf16>, vector<512x1xf32> -> vector<512x1xf32>
    %get3A_166 = arith.constant 0 : index
    %get3A_167 = arith.constant 0 : index
    %get3A_168 = vector.load %arg13[%get3A_166, %get3A_167] : memref<1x1xf32, #tpu.memory_space<vmem>>, vector<1x1xf32>
    %add3A_169 = vector.broadcast %get3A_168 : vector<1x1xf32> to vector<512x1xf32>
    %add3A_170 = arith.addf %dot_general3A_165, %add3A_169 : vector<512x1xf32>
    %get3A_171 = arith.constant 0 : index
    %get3A_172 = arith.constant 0 : index
    %get3A_173 = vector.load %arg2[%get3A_171, %get3A_172] : memref<512x26xf32, #tpu.memory_space<vmem>>, vector<512x26xf32>
    %reduce_sum3A = arith.constant dense<0.000000e+00> : vector<512xf32>
    %reduce_sum3A_174 = vector.multi_reduction <add>, %get3A_173, %reduce_sum3A [1] : vector<512x26xf32> to vector<512xf32>
    %broadcast_in_dim3A = vector.shape_cast %reduce_sum3A_174 : vector<512xf32> to vector<512x1xf32>
    %get3A_175 = arith.constant 0 : index
    %get3A_176 = arith.constant 0 : index
    %get3A_177 = vector.load %arg3[%get3A_175, %get3A_176] : memref<512x13xf32, #tpu.memory_space<vmem>>, vector<512x13xf32>
    %get3A_178 = arith.constant 0 : index
    %get3A_179 = arith.constant 0 : index
    %get3A_180 = vector.load %arg4[%get3A_178, %get3A_179] : memref<13x1xf32, #tpu.memory_space<vmem>>, vector<13x1xf32>
    %dot_general3A_181 = arith.constant dense<0.000000e+00> : vector<512x1xf32>
    %dot_general3A_182 = tpu.matmul %get3A_177, %get3A_180, %dot_general3A_181 {dimension_numbers = #tpu.dot_dimension_numbers<[1], [0], [0], [1], [0, 0, 1, 1], [], []>, transpose_lhs_hint = false} : vector<512x13xf32>, vector<13x1xf32>, vector<512x1xf32> -> vector<512x1xf32>
    %get3A_183 = arith.constant 0 : index
    %get3A_184 = arith.constant 0 : index
    %get3A_185 = vector.load %arg5[%get3A_183, %get3A_184] : memref<1x1xf32, #tpu.memory_space<vmem>>, vector<1x1xf32>
    %add3A_186 = vector.broadcast %get3A_185 : vector<1x1xf32> to vector<512x1xf32>
    %add3A_187 = arith.addf %dot_general3A_182, %add3A_186 : vector<512x1xf32>
    %add3A_188 = arith.addf %add3A_187, %broadcast_in_dim3A : vector<512x1xf32>
    %add3A_189 = arith.addf %add3A_188, %add3A_170 : vector<512x1xf32>
    %get3A_190 = arith.constant 0 : index
    %get3A_191 = arith.constant 0 : index
    %get3A_192 = vector.load %arg14[%get3A_190, %get3A_191] : memref<1x1xf32, #tpu.memory_space<vmem>>, vector<1x1xf32>
    %get3A_193 = vector.extract %get3A_192[0, 0] : f32 from vector<1x1xf32>
    %mul3A_194 = vector.broadcast %get3A_193 : f32 to vector<512x1xf32>
    %mul3A_195 = arith.mulf %add3A_189, %mul3A_194 : vector<512x1xf32>
    %get3A_196 = arith.constant 0 : index
    %get3A_197 = arith.constant 0 : index
    %get3A_198 = vector.load %arg15[%get3A_196, %get3A_197] : memref<1x1xf32, #tpu.memory_space<vmem>>, vector<1x1xf32>
    %get3A_199 = vector.extract %get3A_198[0, 0] : f32 from vector<1x1xf32>
    %add3A_200 = vector.broadcast %get3A_199 : f32 to vector<512x1xf32>
    %add3A_201 = arith.addf %mul3A_195, %add3A_200 : vector<512x1xf32>
    %logistic3A = arith.negf %add3A_201 : vector<512x1xf32>
    %logistic3A_202 = math.exp %logistic3A : vector<512x1xf32>
    %logistic3A_203 = arith.constant 1.000000e+00 : f32
    %logistic3A_204 = vector.broadcast %logistic3A_203 : f32 to vector<512x1xf32>
    %logistic3A_205 = arith.addf %logistic3A_204, %logistic3A_202 : vector<512x1xf32>
    %logistic3A_206 = arith.divf %logistic3A_204, %logistic3A_205 : vector<512x1xf32>
    %swap3A = arith.constant 0 : index
    %swap3A_207 = arith.constant 0 : index
    %swap3A_208 = vector.load %arg18[%swap3A, %swap3A_207] : memref<512x1xf32, #tpu.memory_space<vmem>>, vector<512x1xf32>
    tpu.vector_store %arg18[%swap3A, %swap3A_207], %logistic3A_206 {strides = array<i32>} : memref<512x1xf32, #tpu.memory_space<vmem>>, vector<512x1xf32>,
    %get3A_209 = arith.constant 0 : index
    %get3A_210 = arith.constant 0 : index
    %get3A_211 = vector.load %arg16[%get3A_209, %get3A_210] : memref<1x1xf32, #tpu.memory_space<vmem>>, vector<1x1xf32>
    %get3A_212 = vector.extract %get3A_211[0, 0] : f32 from vector<1x1xf32>
    %mul3A_213 = vector.broadcast %get3A_212 : f32 to vector<512x1xf32>
    %mul3A_214 = arith.mulf %add3A_189, %mul3A_213 : vector<512x1xf32>
    %get3A_215 = arith.constant 0 : index
    %get3A_216 = arith.constant 0 : index
    %get3A_217 = vector.load %arg17[%get3A_215, %get3A_216] : memref<1x1xf32, #tpu.memory_space<vmem>>, vector<1x1xf32>
    %get3A_218 = vector.extract %get3A_217[0, 0] : f32 from vector<1x1xf32>
    %add3A_219 = vector.broadcast %get3A_218 : f32 to vector<512x1xf32>
    %add3A_220 = arith.addf %mul3A_214, %add3A_219 : vector<512x1xf32>
    %logistic3A_221 = arith.negf %add3A_220 : vector<512x1xf32>
    %logistic3A_222 = math.exp %logistic3A_221 : vector<512x1xf32>
    %logistic3A_223 = arith.constant 1.000000e+00 : f32
    %logistic3A_224 = vector.broadcast %logistic3A_223 : f32 to vector<512x1xf32>
    %logistic3A_225 = arith.addf %logistic3A_224, %logistic3A_222 : vector<512x1xf32>
    %logistic3A_226 = arith.divf %logistic3A_224, %logistic3A_225 : vector<512x1xf32>
    %swap3A_227 = arith.constant 0 : index
    %swap3A_228 = arith.constant 0 : index
    %swap3A_229 = vector.load %arg19[%swap3A_227, %swap3A_228] : memref<512x1xf32, #tpu.memory_space<vmem>>, vector<512x1xf32>
    tpu.vector_store %arg19[%swap3A_227, %swap3A_228], %logistic3A_226 {strides = array<i32>} : memref<512x1xf32, #tpu.memory_space<vmem>>, vector<512x1xf32>,
    return
  }
  func.func @transform_0(%arg0: i32) -> (i32, i32) {
    %c0_i32 = arith.constant 0 : i32
    %c0_i32_0 = arith.constant 0 : i32
    return %arg0, %c0_i32 : i32, i32
  }
  func.func @transform_1(%arg0: i32) -> (i32, i32) {
    %c0_i32 = arith.constant 0 : i32
    %c0_i32_0 = arith.constant 0 : i32
    return %arg0, %c0_i32 : i32, i32
  }
  func.func @transform_2(%arg0: i32) -> (i32, i32) {
    %c0_i32 = arith.constant 0 : i32
    %c0_i32_0 = arith.constant 0 : i32
    return %arg0, %c0_i32 : i32, i32
  }
  func.func @transform_3(%arg0: i32) -> (i32, i32) {
    %c0_i32 = arith.constant 0 : i32
    %c0_i32_0 = arith.constant 0 : i32
    %c0_i32_1 = arith.constant 0 : i32
    return %c0_i32, %c0_i32_0 : i32, i32
  }
  func.func @transform_4(%arg0: i32) -> (i32, i32) {
    %c0_i32 = arith.constant 0 : i32
    %c0_i32_0 = arith.constant 0 : i32
    %c0_i32_1 = arith.constant 0 : i32
    return %c0_i32, %c0_i32_0 : i32, i32
  }
  func.func @transform_5(%arg0: i32) -> (i32, i32) {
    %c0_i32 = arith.constant 0 : i32
    %c0_i32_0 = arith.constant 0 : i32
    %c0_i32_1 = arith.constant 0 : i32
    return %c0_i32, %c0_i32_0 : i32, i32
  }
  func.func @transform_6(%arg0: i32) -> (i32, i32) {
    %c0_i32 = arith.constant 0 : i32
    %c0_i32_0 = arith.constant 0 : i32
    %c0_i32_1 = arith.constant 0 : i32
    return %c0_i32, %c0_i32_0 : i32, i32
  }
  func.func @transform_7(%arg0: i32) -> (i32, i32) {
    %c0_i32 = arith.constant 0 : i32
    %c0_i32_0 = arith.constant 0 : i32
    %c0_i32_1 = arith.constant 0 : i32
    return %c0_i32, %c0_i32_0 : i32, i32
  }
  func.func @transform_8(%arg0: i32) -> (i32, i32) {
    %c0_i32 = arith.constant 0 : i32
    %c0_i32_0 = arith.constant 0 : i32
    %c0_i32_1 = arith.constant 0 : i32
    return %c0_i32, %c0_i32_0 : i32, i32
  }
  func.func @transform_9(%arg0: i32) -> (i32, i32) {
    %c0_i32 = arith.constant 0 : i32
    %c0_i32_0 = arith.constant 0 : i32
    %c0_i32_1 = arith.constant 0 : i32
    return %c0_i32, %c0_i32_0 : i32, i32
  }
  func.func @transform_10(%arg0: i32) -> (i32, i32) {
    %c0_i32 = arith.constant 0 : i32
    %c0_i32_0 = arith.constant 0 : i32
    %c0_i32_1 = arith.constant 0 : i32
    return %c0_i32, %c0_i32_0 : i32, i32
  }
  func.func @transform_11(%arg0: i32) -> (i32, i32) {
    %c0_i32 = arith.constant 0 : i32
    %c0_i32_0 = arith.constant 0 : i32
    %c0_i32_1 = arith.constant 0 : i32
    return %c0_i32, %c0_i32_0 : i32, i32
  }
  func.func @transform_12(%arg0: i32) -> (i32, i32) {
    %c0_i32 = arith.constant 0 : i32
    %c0_i32_0 = arith.constant 0 : i32
    %c0_i32_1 = arith.constant 0 : i32
    return %c0_i32, %c0_i32_0 : i32, i32
  }
  func.func @transform_13(%arg0: i32) -> (i32, i32) {
    %c0_i32 = arith.constant 0 : i32
    %c0_i32_0 = arith.constant 0 : i32
    %c0_i32_1 = arith.constant 0 : i32
    return %c0_i32, %c0_i32_0 : i32, i32
  }
  func.func @transform_14(%arg0: i32) -> (i32, i32) {
    %c0_i32 = arith.constant 0 : i32
    %c0_i32_0 = arith.constant 0 : i32
    %c0_i32_1 = arith.constant 0 : i32
    return %c0_i32, %c0_i32_0 : i32, i32
  }
  func.func @transform_15(%arg0: i32) -> (i32, i32) {
    %c0_i32 = arith.constant 0 : i32
    %c0_i32_0 = arith.constant 0 : i32
    %c0_i32_1 = arith.constant 0 : i32
    return %c0_i32, %c0_i32_0 : i32, i32
  }
  func.func @transform_16(%arg0: i32) -> (i32, i32) {
    %c0_i32 = arith.constant 0 : i32
    %c0_i32_0 = arith.constant 0 : i32
    %c0_i32_1 = arith.constant 0 : i32
    return %c0_i32, %c0_i32_0 : i32, i32
  }
  func.func @transform_17(%arg0: i32) -> (i32, i32) {
    %c0_i32 = arith.constant 0 : i32
    %c0_i32_0 = arith.constant 0 : i32
    return %arg0, %c0_i32 : i32, i32
  }
  func.func @transform_18(%arg0: i32) -> (i32, i32) {
    %c0_i32 = arith.constant 0 : i32
    %c0_i32_0 = arith.constant 0 : i32
    return %arg0, %c0_i32 : i32, i32
  }
}

</mosaic_0001>

<sc_bundles>
// kernel: kernel.5.cloned.1.call-start
scs
__scs_entry_jumppad:
0x0: {  	(pc) =	sbr.rel $0x88, $3  }
0x1: {  	(tag) =	ssettag $0x0;
	lr =	simm.s32 $0x1  }
0x2: {  	[smem:$0x3F8F] =	sst lr;
	_ =	strace $0xD0000000  }
0x3: {  	_ = 	snop  }
0x4: {  	_ = 	snop  }
0x5: {  	_ = 	snop  }
0x6: {  	_ = 	snop  }
0x7: {  	_ = 	snop  }
__scs_overlays_trampoline_lowered:
0x8: {  	[smem:$0x3F9E] =	sst s0  }
0x9: {  	[smem:$0x3F9F] =	sst s1  }
0xa: {  	[smem:$0x3FA0] =	sst s2  }
0xb: {  	[smem:$0x3FA1] =	sst s3  }
0xc: {  	[smem:$0x3FA2] =	sst s4  }
0xd: {  	[smem:$0x3FA3] =	sst s5  }
0xe: {  	[smem:$0x3FA4] =	sst s6  }
0xf: {  	[smem:$0x3FA5] =	sst s7  }
0x10: {  	[smem:$0x3FA6] =	sst s8  }
0x11: {  	[smem:$0x3FA7] =	sst s9;
	s0 =	simm.s32 @!p0 $0x0  }
0x12: {  	s1 =	sld [smem:$0x3F8D];
	s0 =	simm.s32 @p0 $0x1  }
0x13: {  	[smem:$0x3FA8] =	sst s0;
	s0 =	simm.s32 @!p1 $0x0  }
0x14: {  	s2 =	sld [smem:$0x3F8C];
	s0 =	simm.s32 @p1 $0x1  }
0x15: {  	[smem:$0x3FA9] =	sst s0;
	s0 =	simm.s32 @!p2 $0x0  }
0x16: {  	s3 =	sld [smem:$0x3FDB];
	s0 =	simm.s32 @p2 $0x1  }
0x17: {  	s4 =	simm.s32 $0x1BF5;
	[smem:$0x3FAB] =	sst s0  }
0x18: {  	s0 =	sld [smem:$0x3F8E];
	_ =	swait.ge [sflag:s4], $0x0  }
0x19: {  	s7 =	sld [smem:$0x3F8F]  }
0x1a: {  	s8 =	sadd.s32 $0xFFFFE003, lr  }
0x1b: {  	s9 =	sadd.s32 $0xFFFFFEF7, lr;
	s5 =	simm.s32 $0xFFFFFFFF;
	p2 =	slt.u32 s8, $0xFFFFF086  }
0x1c: {  	p1 =	slt.u32 s9, $0xF7A;
	s5 =	simm.s32 @!p2 $0x0  }
0x1d: {  	s5 =	simm.s32 @p1 $0x1;
	p0 =	seq.s32 s7, s2  }
0x1e: {  	s7 =	smul.u32 @!p0 $0xF7A, s2;
	p2 =	seq.s32 @!p0 s5, $0x0  }
0x1f: {  	s9 =	smul.u32 $0xF7A, s1;
	s8 =	simm.s32 @!p0 $0x1BF5;
	p2 =	por !p2, p0  }
0x20: {  	[sflag:s8] =	ssyncset.s32 @!p0 $0xFFFFF086;
	s6 =	sadd.s32 @!p0 s3, s7;
	s7 =	simm.s32 @!p0 $0x108  }
0x21: {  	s3 =	sadd.s32 s3, s9;
	s6 =	sadd.s32 @!p0 $0x88, s6;
	s7 =	simm.s32 @p2 $0x1082  }
0x22: {  	[simem:s7], [sflag:s8] =	dma.local @!p0 [hbm:s6], $0xF7A  }
0x23: {  	s9 =	sor.u32 $0xD0000000, s2;
	s6 =	simm.s32 $0x108;
	_ =	swait.ge @!p0 [sflag:s8], $0x0  }
0x24: {  	s3 =	sadd.s32 $0x88, s3;
	s6 =	simm.s32 @!p1 $0x1082;
	[sflag:s4] =	ssyncset.s32 $0xFFFFF086  }
0x25: {  	[simem:s6], [sflag:s4] =	dma.local [hbm:s3], $0xF7A  }
0x26: {  	[smem:$0x3F8F] =	sst s1;
	(tag) =	ssettag s2;
	_ =	strace s9  }
0x27: {  	s1 =	sld [smem:$0x3F9F]  }
0x28: {  	s2 =	sld [smem:$0x3FA0]  }
0x29: {  	s4 =	sld [smem:$0x3FA2]  }
0x2a: {  	p0 =	seq.s32 s5, $0x0;
	s5 =	sld [smem:$0x3FA3]  }
0x2b: {  	s6 =	sld [smem:$0x3FA4]  }
0x2c: {  	s7 =	sld [smem:$0x3FA5]  }
0x2d: {  	s3 =	simm.s32 $0x108;
	s8 =	sld [smem:$0x3FA6]  }
0x2e: {  	s3 =	simm.s32 @!p0 $0x1082;
	s9 =	sld [smem:$0x3FA7]  }
0x2f: {  	lr =	sadd.s32 s0, s3;
	s0 =	sld [smem:$0x3F9E]  }
0x30: {  	s3 =	sld [smem:$0x3FA1]  }
0x31: {  	[smem:$0x3FAA] =	sst s10  }
0x32: {  	s10 =	sld [smem:$0x3FA8];
	_ =	sdelay $0x3  }
0x33: {  	p0 =	seq.s32 s10, $0x1;
	s10 =	sld [smem:$0x3FAA];
	_ =	sdelay $0x3  }
0x34: {  	[smem:$0x3FAA] =	sst s10  }
0x35: {  	s10 =	sld [smem:$0x3FA9];
	_ =	sdelay $0x3  }
0x36: {  	p1 =	seq.s32 s10, $0x1;
	s10 =	sld [smem:$0x3FAA];
	_ =	sdelay $0x3  }
0x37: {  	[smem:$0x3FAA] =	sst s10  }
0x38: {  	s10 =	sld [smem:$0x3FAB]  }
0x39: {  	_ = 	snop;
	(pc) =	sbr.ind lr, $3  }
0x3a: {  	_ = 	snop  }
0x3b: {  	_ = 	snop  }
0x3c: {  	p2 =	seq.s32 s10, $0x1;
	s10 =	sld [smem:$0x3FAA]  }
0x3d: {  	_ =	shalt  }
0x3e: {  	_ =	shalt  }
0x3f: {  	_ =	shalt  }
0x40: {  	_ =	shalt  }
0x41: {  	_ =	shalt  }
0x42: {  	_ =	shalt  }
0x43: {  	_ =	shalt  }
0x44: {  	_ =	shalt  }
0x45: {  	_ =	shalt  }
0x46: {  	_ =	shalt  }
0x47: {  	_ =	shalt  }
0x48: {  	_ =	shalt  }
0x49: {  	_ =	shalt  }
0x4a: {  	_ =	shalt  }
0x4b: {  	_ =	shalt  }
0x4c: {  	_ =	shalt  }
0x4d: {  	_ =	shalt  }
0x4e: {  	_ =	shalt  }
0x4f: {  	_ =	shalt  }
0x50: {  	_ =	shalt  }
0x51: {  	_ =	shalt  }
0x52: {  	_ =	shalt  }
0x53: {  	_ =	shalt  }
0x54: {  	_ =	shalt  }
0x55: {  	_ =	shalt  }
0x56: {  	_ =	shalt  }
0x57: {  	_ =	shalt  }
0x58: {  	_ =	shalt  }
0x59: {  	_ =	shalt  }
0x5a: {  	_ =	shalt  }
0x5b: {  	_ =	shalt  }
0x5c: {  	_ =	shalt  }
0x5d: {  	_ =	shalt  }
0x5e: {  	_ =	shalt  }
0x5f: {  	_ =	shalt  }
0x60: {  	_ =	shalt  }
0x61: {  	_ =	shalt  }
0x62: {  	_ =	shalt  }
0x63: {  	_ =	shalt  }
0x64: {  	_ =	shalt  }
0x65: {  	_ =	shalt  }
0x66: {  	_ =	shalt  }
0x67: {  	_ =	shalt  }
0x68: {  	_ =	shalt  }
0x69: {  	_ =	shalt  }
0x6a: {  	_ =	shalt  }
0x6b: {  	_ =	shalt  }
0x6c: {  	_ =	shalt  }
0x6d: {  	_ =	shalt  }
0x6e: {  	_ =	shalt  }
0x6f: {  	_ =	shalt  }
0x70: {  	_ =	shalt  }
0x71: {  	_ =	shalt  }
0x72: {  	_ =	shalt  }
0x73: {  	_ =	shalt  }
0x74: {  	_ =	shalt  }
0x75: {  	_ =	shalt  }
0x76: {  	_ =	shalt  }
0x77: {  	_ =	shalt  }
0x78: {  	_ =	shalt  }
0x79: {  	_ =	shalt  }
0x7a: {  	_ =	shalt  }
0x7b: {  	_ =	shalt  }
0x7c: {  	_ =	shalt  }
0x7d: {  	_ =	shalt  }
0x7e: {  	_ =	shalt  }
0x7f: {  	_ =	shalt  }
0x80: {  	_ =	shalt  }
0x81: {  	_ =	shalt  }
0x82: {  	_ =	shalt  }
0x83: {  	_ =	shalt  }
0x84: {  	_ =	shalt  }
0x85: {  	_ =	shalt  }
0x86: {  	_ =	shalt  }
0x87: {  	_ =	shalt  }
.Lfunc_end0:
.L_simem_size_0:
called_computation_lowered:
.L_overlay_start_0:
0x88: {  	s2 =	sld [smem:$0x3FD9]  }
0x89: {  	s3 =	sld [smem:$0x3FFE];
	_ =	sdelay $0x1  }
0x8a: {  	s1 =	srdreg.scid  }
0x8b: {  	s0 =	sand.u32 $0x1, s1  }
0x8c: {  	s16 =	sshll.u32 s0, $0xA;
	s2 =	sadd.s32 s3, s2  }
0x8d: {  	s2 =	sadd.s32 s2, s16  }
0x8e: {  	[smem:$0x3FB6] =	sst s2  }
0x8f: {  	_ = 	snop  }
0x90: {  	(tm) =	ssettm $0x1  }
0x91: {  	s17 =	sld [smem:$0x3FFB];
	_ =	sdelay $0x3  }
0x92: {  	_ =	strace s17  }
0x93: {  	s2 =	sld [smem:$0x3FFC];
	_ =	sdelay $0x3  }
0x94: {  	_ =	strace s2  }
0x95: {  	s2 =	sld [smem:$0x3FFD];
	_ =	sdelay $0x3  }
0x96: {  	_ =	strace s2  }
0x97: {  	_ =	strace $0x8FFFFFFF  }
0x98: {  	s18 =	sld [smem:$0x3FDB];
	_ =	sdelay $0x1  }
0x99: {  	s19 =	simm.s32 $_scs_section_size  }
0x9a: {  	s4 =	simm.s32 $_size__tile_overlayer_lowered;
	s5 =	simm.s32 $_tile_overlayer_lowered  }
0x9b: {  	s22 =	simm.s32 $0x1BFF;
	s21 =	sshll.u32 s5, $0x1;
	s2 =	sadd.s32 s19, s18  }
0x9c: {  	s6 =	simm.s32 $0x0;
	s20 =	sshll.u32 s4, $0x1;
	s4 =	sadd.s32 s21, s2  }
0x9d: {  	[timem:s6], [sflag:s22] =	dma.local [hbm:s4], s20  }
0x9e: {  	_ =	swait.ge [sflag:s22], s20  }
0x9f: {  	s3 =	ssub.s32 $0x0, s20;
	[sflag:s22] =	ssyncset.done $0x0  }
0xa0: {  	[sflag:s22] =	ssyncadd.s32 s3;
	_ =	sdelay $0x1  }
0xa1: {  	s23 =	simm.s32 $0x1B8B  }
0xa2: {  	_ =	swait.ge [sflag:s23], $0x1  }
0xa3: {  	[sflag:s23] =	ssyncset.done $0x0  }
0xa4: {  	s25 =	simm.s32 $0x1B8E;
	s24 =	sld [smem:$0x3FFE];
	[sflag:s23] =	ssyncadd.s32 $0xFFFFFFFF  }
0xa5: {  	s26 =	simm.s32 $execute0_lowered;
	[smem:$0x3FD2] =	sst s25  }
0xa6: {  	s4 =	sshll.u32 s26, $0x1;
	_ =	strace $0x80000046;
	[dreg:$0x1] =	wrdreg $0xFFFFFFFF  }
0xa7: {  	s28 =	simm.s32 $_size_execute0_lowered;
	s2 =	sadd.s32 s2, s4;
	[dreg:$0x0] =	wrdreg $0x0  }
0xa8: {  	s4 =	sshll.u32 s28, $0x1;
	[dreg:$0x2] =	wrdreg s2  }
0xa9: {  	[dreg:$0x3] =	wrdreg s4  }
0xaa: {  	[dreg:$0x4] =	wrdreg $0xC0  }
0xab: {  	_ =	task [dreg:s6], $0x5FFFF  }
0xac: {  	[dreg:$0x1] =	wrdreg $0xFFFFFFFF  }
0xad: {  	[dreg:$0x0] =	wrdreg $0x60  }
0xae: {  	[dreg:$0x2] =	wrdreg s24  }
0xaf: {  	[dreg:$0x3] =	wrdreg $0x9  }
0xb0: {  	_ =	task.clear_ibuf [dreg:s6], $0x4FFFF;
	_ =	strace $0x90000046  }
0xb1: {  	s29 =	simm.s32 $0x9;
	_ =	strace $0x80000048  }
0xb2: {  	_ =	swait.ge [sflag:s29], $0x1  }
0xb3: {  	[sflag:s29] =	ssyncadd.s32 $0xFFFFFFFF  }
0xb4: {  	_ =	strace $0x90000048  }
0xb5: {  	_ =	sfence  }
0xb6: {  	s30 =	sld [smem:$0x0];
	_ =	sdelay $0x2  }
0xb7: {  	s31 =	sshll.u32 s1, $0xD;
	s1 =	sshrl.u32 s1, $0x2  }
0xb8: {  	s3 =	sand.u32 $0x4000, s31;
	s1 =	sadd.s32 s1, s30  }
0xb9: {  	s0 =	sor.u32 s3, s0;
	s1 =	sshll.u32 s1, $0x11  }
0xba: {  	s0 =	sor.u32 s1, s0  }
0xbb: {  	s0 =	sadd.s32 $0x8F2B, s0  }
0xbc: {  	[sflag:s0] =	ssyncadd.remote.s32 $0x1  }
0xbd: {  	_ =	sfence.sel $0xFFFF  }
0xbe: {  	[dreg:$0x0] =	wrdreg $0xFFFFFFFF;
	(pc) =	sbr.abs _section_cstart, $3  }
0xbf: {  	[dreg:$0x1] =	wrdreg $0xFFFFFFFF  }
0xc0: {  	_ =	task.clear_ibuf [dreg:s6], $0x2FFFF;
	_ =	strace $0x9FFFFFFF  }
0xc1: {  	(tm) =	ssettm $0x7FFFFFFF  }
tec
execute0_lowered:
.L_overlay_start_1:
0x0: {  	(tag) =	ssettag $0x1  }
0x1: {  	s1 =	srdreg.scid;
	s3 =	stileid.u32  }
0x2: {  	s1 =	sand.u32 $0x1, s1;
	s3 =	sshll.u32 s3, $0x1  }
0x3: {  	s3 =	sor.u32 s1, s3  }
0x4: {  	s0 =	rddreg [dreg:$0x0];
	s2 =	simm.s32 $0x0;
	s5 =	smul.u32 $0xD000, s3  }
0x5: {  	[smem:$0x7FF] =	sst s2;
	s4 =	sadd.s32 $0x4F7A00, s0;
	s3 =	smul.u32 $0x1A0, s3  }
0x6: {  	s19 =	sadd.s32 $0x547000, s0;
	_ =	strace $0x80000047;
	s5 =	sshrl.u32 s5, $0x3  }
0x7: {  	[dreg:$0x2] =	wrdreg s4;
	s3 =	sadd.s32 s3, s0;
	s6 =	sadd.s32 s19, s5  }
0x8: {  	s8 =	sadd.s32 $0x680, s5;
	s22 =	sadd.s32 $0x57B000, s3;
	[dreg:$0x3] =	wrdreg s6  }
0x9: {  	s9 =	sadd.s32 $0xD00, s5;
	s20 =	sadd.s32 s19, s8;
	[dreg:$0x7] =	wrdreg s22  }
0xa: {  	s10 =	sadd.s32 $0x1380, s5;
	s21 =	sadd.s32 s19, s9;
	[dreg:$0x4] =	wrdreg s20  }
0xb: {  	s7 =	sadd.s32 $0x57E400, s0;
	s4 =	sadd.s32 s19, s10;
	[dreg:$0x5] =	wrdreg s21  }
0xc: {  	s26 =	sadd.s32 s7, s8;
	[dreg:$0x6] =	wrdreg s4  }
0xd: {  	s29 =	simm.s32 $0x3400;
	s12 =	sadd.s32 s7, s9;
	[dreg:$0xb] =	wrdreg s26  }
0xe: {  	s28 =	simm.s32 $0x6800;
	s16 =	sadd.s32 s7, s10;
	[dreg:$0xf] =	wrdreg s12  }
0xf: {  	s31 =	simm.s32 $0x1A000;
	s22 =	sadd.s32 $0x5B2400, s3;
	[dreg:$0x13] =	wrdreg s16  }
0x10: {  	p0 =	por $0x0, $0x0;
	s3 =	simm.s32 $0x4100;
	[dreg:$0x17] =	wrdreg s22  }
0x11: {  	s30 =	simm.s32 $0x2;
	s9 =	simm.s32 $0x5B00;
	[dreg:$0x1a] =	wrdreg s3  }
0x12: {  	s6 =	sadd.s32 s7, s5;
	s10 =	simm.s32 $0x7500;
	[dreg:$0x1c] =	wrdreg s9  }
0x13: {  	s1 =	ssub.s32 $0x2, s1;
	s23 =	sadd.s32 $0x1A0, s6;
	[dreg:$0x1d] =	wrdreg s10  }
0x14: {  	s19 =	sshrl.u32 s1, $0x1;
	s24 =	sadd.s32 $0x340, s6;
	[dreg:$0x8] =	wrdreg s23  }
0x15: {  	s7 =	simm.s32 $0x1;
	s25 =	sadd.s32 $0x4E0, s6;
	[dreg:$0x9] =	wrdreg s24  }
0x16: {  	s5 =	sadd.s32 $0x820, s6;
	s8 =	sadd.s32 $0x9C0, s6;
	[dreg:$0xa] =	wrdreg s25  }
0x17: {  	s11 =	sadd.s32 $0xB60, s6;
	s13 =	sadd.s32 $0xEA0, s6;
	[dreg:$0xc] =	wrdreg s5  }
0x18: {  	s14 =	sadd.s32 $0x1040, s6;
	s15 =	sadd.s32 $0x11E0, s6;
	[dreg:$0xd] =	wrdreg s8  }
0x19: {  	s21 =	sadd.s32 $0x2000, s0;
	s17 =	sadd.s32 $0x1520, s6;
	[dreg:$0xe] =	wrdreg s11  }
0x1a: {  	s18 =	sadd.s32 $0x16C0, s6;
	s20 =	sadd.s32 $0x1860, s6;
	[dreg:$0x10] =	wrdreg s13  }
0x1b: {  	s1 =	ssub.s32 s1, s19;
	s26 =	simm.s32 $0x9C00;
	[dreg:$0x11] =	wrdreg s14  }
0x1c: {  	s4 =	simm.s32 $0x3;
	s16 =	simm.s32 $0xD000;
	[dreg:$0x12] =	wrdreg s15  }
0x1d: {  	s19 =	simm.s32 $0xF700;
	s22 =	simm.s32 $0x11100;
	[dreg:$0x14] =	wrdreg s17  }
0x1e: {  	s12 =	simm.s32 $0x8F00;
	s9 =	simm.s32 $0x14500;
	[dreg:$0x15] =	wrdreg s18  }
0x1f: {  	s10 =	simm.s32 $0x15200;
	s3 =	simm.s32 $0x4;
	[dreg:$0x16] =	wrdreg s20  }
0x20: {  	s0 =	smax.u32 s1, $0x1;
	s25 =	simm.s32 $0xD00;
	s5 =	simm.s32 $0x1AD00  }
0x21: {  	s23 =	simm.s32 $0x1A00;
	s17 =	simm.s32 $0xDD00;
	[dreg:$0x1f] =	wrdreg s12  }
0x22: {  	s24 =	simm.s32 $0x2700;
	s18 =	simm.s32 $0xEA00;
	s1 =	rddreg [dreg:$0x3]  }
0x23: {  	s8 =	simm.s32 $0x4E00;
	s20 =	simm.s32 $0x10400;
	[dreg:$0x18] =	wrdreg s23  }
0x24: {  	s11 =	simm.s32 $0x8200;
	s13 =	simm.s32 $0xA900;
	[dreg:$0x19] =	wrdreg s24  }
0x25: {  	s14 =	simm.s32 $0xB600;
	[dreg:$0x1b] =	wrdreg s8;
	p1 =	sne.s32 s0, $0x1  }
.Ltmp0:
0x26: {  	s15 =	simm.s32 $0xC300;
	[dreg:$0x1e] =	wrdreg s11;
	(pc) =	sbr.rel @!p1 .LBB2_3-.Ltmp0, $4  }
0x27: {  	s12 =	simm.s32 $0x18600;
	s23 =	simm.s32 $0x11E00;
	[smem:$0x7FB] =	sst s13  }
0x28: {  	s24 =	simm.s32 $0x12B00;
	s8 =	simm.s32 $0x13800;
	[smem:$0x7FC] =	sst s14  }
0x29: {  	[smem:$0x7FD] =	sst s15;
	s11 =	simm.s32 $0x15F00;
	s0 =	sadd.s32 $0xFFFFFFFF, s0  }
0x2a: {  	s15 =	simm.s32 $0x16C00;
	s14 =	simm.s32 $0x17900;
	s13 =	simm.s32 $0x19300  }
0x2b: {  	[smem:$0x7FA] =	sst s0  }
0x2c: {  	[tilespmem:s2], [sflag:$0x1] =	stream.linear.gather [hbm4b:s1+s2], $0x3400, $0x38;
	[tilespmem:$0x1BA00] =	vst v63  }
0x2d: {  	s0 =	rddreg [dreg:$0x4]  }
0x2e: {  	[tilespmem:s29], [sflag:$0x1] =	stream.linear.gather [hbm4b:s0+s2], $0x3400, $0x38;
	[tilespmem:$0x1BA00] =	vst v63  }
0x2f: {  	s1 =	rddreg [dreg:$0x5]  }
0x30: {  	[tilespmem:s28], [sflag:$0x1] =	stream.linear.gather [hbm4b:s1+s2], $0x3400, $0x38;
	[tilespmem:$0x1BA00] =	vst v63  }
0x31: {  	s0 =	rddreg [dreg:$0x6]  }
0x32: {  	[tilespmem:s26], [sflag:$0x1] =	stream.linear.gather [hbm4b:s0+s2], $0x3400, $0x38;
	[tilespmem:$0x1BA00] =	vst v63  }
0x33: {  	s1 =	rddreg [dreg:$0x7]  }
0x34: {  	[tilespmem:s31], [sflag:$0x3] =	stream.linear.gather [hbm4b:s1+s2], $0xD00, $0x38;
	[tilespmem:$0x1BA00] =	vst v63  }
0x35: {  	_ =	swait.ge [sflag:s4], $0xD00  }
0x36: {  	[sflag:s4] =	ssyncset.done $0x0  }
0x37: {  	s1 =	rddreg [dreg:$0x2];
	[sflag:s4] =	ssyncadd.s32 $0xFFFFF300  }
0x38: {  	[tilespmem:s5], [sflag:$0x3] =	stream.indirect.gather [hbm4b:s1+s25], $0x1, s31, s25, $0xb8;
	[tilespmem:$0x1BA00] =	vst v63  }
0x39: {  	_ =	swait.ge [sflag:s7], $0x3400  }
0x3a: {  	[sflag:s7] =	ssyncset.done $0x0  }
0x3b: {  	[sflag:s7] =	ssyncadd.s32 $0xFFFFCC00  }
0x3c: {  	_ =	swait.ge [sflag:s7], $0x3400  }
0x3d: {  	[sflag:s7] =	ssyncset.done $0x0  }
0x3e: {  	[sflag:s7] =	ssyncadd.s32 $0xFFFFCC00  }
0x3f: {  	_ =	swait.ge [sflag:s7], $0x3400  }
0x40: {  	[sflag:s7] =	ssyncset.done $0x0  }
0x41: {  	[sflag:s7] =	ssyncadd.s32 $0xFFFFCC00  }
0x42: {  	_ =	swait.ge [sflag:s7], $0x3400  }
0x43: {  	[sflag:s7] =	ssyncset.done $0x0  }
0x44: {  	[sflag:s7] =	ssyncadd.s32 $0xFFFFCC00  }
0x45: {  	[tilespmem:s16], [sflag:$0x2] =	stream.indirect.gather [hbm4b:s21+s25], $0x1, s2, s25, $0xb8;
	[tilespmem:$0x1BA00] =	vst v63  }
0x46: {  	_ = 	snop  }
0x47: {  	[tilespmem:s17], [sflag:$0x2] =	stream.indirect.gather [hbm4b:s21+s25], $0x1, s25, s25, $0xb8;
	[tilespmem:$0x1BA00] =	vst v63  }
0x48: {  	s0 =	rddreg [dreg:$0x18]  }
0x49: {  	[tilespmem:s18], [sflag:$0x2] =	stream.indirect.gather [hbm4b:s21+s25], $0x1, s0, s25, $0xb8;
	[tilespmem:$0x1BA00] =	vst v63  }
0x4a: {  	s1 =	rddreg [dreg:$0x19]  }
0x4b: {  	[tilespmem:s19], [sflag:$0x2] =	stream.indirect.gather [hbm4b:s21+s25], $0x1, s1, s25, $0xb8;
	[tilespmem:$0x1BA00] =	vst v63  }
0x4c: {  	_ = 	snop  }
0x4d: {  	[tilespmem:s20], [sflag:$0x2] =	stream.indirect.gather [hbm4b:s21+s25], $0x1, s29, s25, $0xb8;
	[tilespmem:$0x1BA00] =	vst v63  }
0x4e: {  	s0 =	rddreg [dreg:$0x1a]  }
0x4f: {  	[tilespmem:s22], [sflag:$0x2] =	stream.indirect.gather [hbm4b:s21+s25], $0x1, s0, s25, $0xb8;
	[tilespmem:$0x1BA00] =	vst v63  }
0x50: {  	s1 =	rddreg [dreg:$0x1b]  }
0x51: {  	[tilespmem:s23], [sflag:$0x2] =	stream.indirect.gather [hbm4b:s21+s25], $0x1, s1, s25, $0xb8;
	[tilespmem:$0x1BA00] =	vst v63  }
0x52: {  	s0 =	rddreg [dreg:$0x1c]  }
0x53: {  	[tilespmem:s24], [sflag:$0x2] =	stream.indirect.gather [hbm4b:s21+s25], $0x1, s0, s25, $0xb8;
	[tilespmem:$0x1BA00] =	vst v63  }
0x54: {  	_ = 	snop  }
0x55: {  	[tilespmem:s8], [sflag:$0x1] =	stream.indirect.gather [hbm4b:s21+s25], $0x1, s28, s25, $0xb8;
	[tilespmem:$0x1BA00] =	vst v63  }
0x56: {  	s0 =	rddreg [dreg:$0x1d]  }
0x57: {  	[tilespmem:s9], [sflag:$0x1] =	stream.indirect.gather [hbm4b:s21+s25], $0x1, s0, s25, $0xb8;
	[tilespmem:$0x1BA00] =	vst v63  }
0x58: {  	s1 =	rddreg [dreg:$0x1e]  }
0x59: {  	[tilespmem:s10], [sflag:$0x1] =	stream.indirect.gather [hbm4b:s21+s25], $0x1, s1, s25, $0xb8;
	[tilespmem:$0x1BA00] =	vst v63  }
0x5a: {  	s0 =	rddreg [dreg:$0x1f]  }
0x5b: {  	[tilespmem:s11], [sflag:$0x1] =	stream.indirect.gather [hbm4b:s21+s25], $0x1, s0, s25, $0xb8;
	[tilespmem:$0x1BA00] =	vst v63  }
0x5c: {  	s0 =	sld [smem:$0x7FB]  }
0x5d: {  	[tilespmem:s15], [sflag:$0x1] =	stream.indirect.gather [hbm4b:s21+s25], $0x1, s26, s25, $0xb8;
	[tilespmem:$0x1BA00] =	vst v63  }
0x5e: {  	s1 =	sld [smem:$0x7FC]  }
0x5f: {  	[tilespmem:s14], [sflag:$0x1] =	stream.indirect.gather [hbm4b:s21+s25], $0x1, s0, s25, $0xb8;
	[tilespmem:$0x1BA00] =	vst v63  }
0x60: {  	s0 =	sld [smem:$0x7FD]  }
0x61: {  	[tilespmem:s12], [sflag:$0x1] =	stream.indirect.gather [hbm4b:s21+s25], $0x1, s1, s25, $0xb8;
	[tilespmem:$0x1BA00] =	vst v63  }
0x62: {  	_ = 	snop  }
0x63: {  	[tilespmem:s13], [sflag:$0x1] =	stream.indirect.gather [hbm4b:s21+s25], $0x1, s0, s25, $0xb8;
	[tilespmem:$0x1BA00] =	vst v63  }
0x64: {  	_ =	swait.ge [sflag:s30], $0xD00  }
0x65: {  	[sflag:s30] =	ssyncset.done $0x0  }
0x66: {  	[sflag:s30] =	ssyncadd.s32 $0xFFFFF300  }
0x67: {  	_ =	swait.ge [sflag:s30], $0xD00  }
0x68: {  	[sflag:s30] =	ssyncset.done $0x0  }
0x69: {  	[sflag:s30] =	ssyncadd.s32 $0xFFFFF300  }
0x6a: {  	_ =	swait.ge [sflag:s30], $0xD00  }
0x6b: {  	[sflag:s30] =	ssyncset.done $0x0  }
0x6c: {  	[sflag:s30] =	ssyncadd.s32 $0xFFFFF300  }
0x6d: {  	_ =	swait.ge [sflag:s30], $0xD00  }
0x6e: {  	[sflag:s30] =	ssyncset.done $0x0  }
0x6f: {  	[sflag:s30] =	ssyncadd.s32 $0xFFFFF300  }
0x70: {  	_ =	swait.ge [sflag:s30], $0xD00  }
0x71: {  	[sflag:s30] =	ssyncset.done $0x0  }
0x72: {  	[sflag:s30] =	ssyncadd.s32 $0xFFFFF300  }
0x73: {  	_ =	swait.ge [sflag:s30], $0xD00  }
0x74: {  	[sflag:s30] =	ssyncset.done $0x0  }
0x75: {  	[sflag:s30] =	ssyncadd.s32 $0xFFFFF300  }
0x76: {  	_ =	swait.ge [sflag:s30], $0xD00  }
0x77: {  	[sflag:s30] =	ssyncset.done $0x0  }
0x78: {  	[sflag:s30] =	ssyncadd.s32 $0xFFFFF300  }
0x79: {  	_ =	swait.ge [sflag:s30], $0xD00  }
0x7a: {  	[sflag:s30] =	ssyncset.done $0x0  }
0x7b: {  	[sflag:s30] =	ssyncadd.s32 $0xFFFFF300  }
0x7c: {  	[hbm4b:s6+s2] =	stream.linear.scatter [tilespmem:s16], [sflag:$0x4], $0xD00, $0x38;
	[tilespmem:$0x1BA00] =	vst v63  }
0x7d: {  	s0 =	rddreg [dreg:$0x8]  }
0x7e: {  	[hbm4b:s0+s2] =	stream.linear.scatter [tilespmem:s17], [sflag:$0x4], $0xD00, $0x38;
	[tilespmem:$0x1BA00] =	vst v63  }
0x7f: {  	s1 =	rddreg [dreg:$0x9]  }
0x80: {  	[hbm4b:s1+s2] =	stream.linear.scatter [tilespmem:s18], [sflag:$0x4], $0xD00, $0x38;
	[tilespmem:$0x1BA00] =	vst v63  }
0x81: {  	s0 =	rddreg [dreg:$0xa]  }
0x82: {  	[hbm4b:s0+s2] =	stream.linear.scatter [tilespmem:s19], [sflag:$0x4], $0xD00, $0x38;
	[tilespmem:$0x1BA00] =	vst v63  }
0x83: {  	s1 =	rddreg [dreg:$0xb]  }
0x84: {  	[hbm4b:s1+s2] =	stream.linear.scatter [tilespmem:s20], [sflag:$0x4], $0xD00, $0x38;
	[tilespmem:$0x1BA00] =	vst v63  }
0x85: {  	s0 =	rddreg [dreg:$0xc]  }
0x86: {  	[hbm4b:s0+s2] =	stream.linear.scatter [tilespmem:s22], [sflag:$0x4], $0xD00, $0x38;
	[tilespmem:$0x1BA00] =	vst v63  }
0x87: {  	s1 =	rddreg [dreg:$0xd]  }
0x88: {  	[hbm4b:s1+s2] =	stream.linear.scatter [tilespmem:s23], [sflag:$0x4], $0xD00, $0x38;
	[tilespmem:$0x1BA00] =	vst v63  }
0x89: {  	s0 =	rddreg [dreg:$0xe]  }
0x8a: {  	[hbm4b:s0+s2] =	stream.linear.scatter [tilespmem:s24], [sflag:$0x4], $0xD00, $0x38;
	[tilespmem:$0x1BA00] =	vst v63  }
0x8b: {  	_ =	swait.ge [sflag:s7], $0xD00  }
0x8c: {  	[sflag:s7] =	ssyncset.done $0x0  }
0x8d: {  	[sflag:s7] =	ssyncadd.s32 $0xFFFFF300  }
0x8e: {  	_ =	swait.ge [sflag:s7], $0xD00  }
0x8f: {  	[sflag:s7] =	ssyncset.done $0x0  }
0x90: {  	[sflag:s7] =	ssyncadd.s32 $0xFFFFF300  }
0x91: {  	_ =	swait.ge [sflag:s7], $0xD00  }
0x92: {  	[sflag:s7] =	ssyncset.done $0x0  }
0x93: {  	[sflag:s7] =	ssyncadd.s32 $0xFFFFF300  }
0x94: {  	_ =	swait.ge [sflag:s7], $0xD00  }
0x95: {  	[sflag:s7] =	ssyncset.done $0x0  }
0x96: {  	[sflag:s7] =	ssyncadd.s32 $0xFFFFF300  }
0x97: {  	_ =	swait.ge [sflag:s7], $0xD00  }
0x98: {  	[sflag:s7] =	ssyncset.done $0x0  }
0x99: {  	[sflag:s7] =	ssyncadd.s32 $0xFFFFF300  }
0x9a: {  	_ =	swait.ge [sflag:s7], $0xD00  }
0x9b: {  	[sflag:s7] =	ssyncset.done $0x0  }
0x9c: {  	[sflag:s7] =	ssyncadd.s32 $0xFFFFF300  }
0x9d: {  	_ =	swait.ge [sflag:s7], $0xD00  }
0x9e: {  	[sflag:s7] =	ssyncset.done $0x0  }
0x9f: {  	[sflag:s7] =	ssyncadd.s32 $0xFFFFF300  }
0xa0: {  	_ =	swait.ge [sflag:s7], $0xD00  }
0xa1: {  	[sflag:s7] =	ssyncset.done $0x0  }
0xa2: {  	s0 =	rddreg [dreg:$0xf];
	[sflag:s7] =	ssyncadd.s32 $0xFFFFF300  }
0xa3: {  	[hbm4b:s0+s2] =	stream.linear.scatter [tilespmem:s8], [sflag:$0x4], $0xD00, $0x38;
	[tilespmem:$0x1BA00] =	vst v63  }
0xa4: {  	s1 =	rddreg [dreg:$0x10]  }
0xa5: {  	[hbm4b:s1+s2] =	stream.linear.scatter [tilespmem:s9], [sflag:$0x4], $0xD00, $0x38;
	[tilespmem:$0x1BA00] =	vst v63  }
0xa6: {  	s0 =	rddreg [dreg:$0x11]  }
0xa7: {  	[hbm4b:s0+s2] =	stream.linear.scatter [tilespmem:s10], [sflag:$0x4], $0xD00, $0x38;
	[tilespmem:$0x1BA00] =	vst v63  }
0xa8: {  	s1 =	rddreg [dreg:$0x12]  }
0xa9: {  	[hbm4b:s1+s2] =	stream.linear.scatter [tilespmem:s11], [sflag:$0x4], $0xD00, $0x38;
	[tilespmem:$0x1BA00] =	vst v63  }
0xaa: {  	s0 =	rddreg [dreg:$0x13]  }
0xab: {  	[hbm4b:s0+s2] =	stream.linear.scatter [tilespmem:s15], [sflag:$0x4], $0xD00, $0x38;
	[tilespmem:$0x1BA00] =	vst v63  }
0xac: {  	s1 =	rddreg [dreg:$0x14]  }
0xad: {  	[hbm4b:s1+s2] =	stream.linear.scatter [tilespmem:s14], [sflag:$0x4], $0xD00, $0x38;
	[tilespmem:$0x1BA00] =	vst v63  }
0xae: {  	s0 =	rddreg [dreg:$0x15]  }
0xaf: {  	[hbm4b:s0+s2] =	stream.linear.scatter [tilespmem:s12], [sflag:$0x4], $0xD00, $0x38;
	[tilespmem:$0x1BA00] =	vst v63  }
0xb0: {  	s1 =	rddreg [dreg:$0x16]  }
0xb1: {  	[hbm4b:s1+s2] =	stream.linear.scatter [tilespmem:s13], [sflag:$0x4], $0xD00, $0x38;
	[tilespmem:$0x1BA00] =	vst v63  }
0xb2: {  	_ =	swait.ge [sflag:s4], $0xD00  }
0xb3: {  	[sflag:s4] =	ssyncset.done $0x0  }
0xb4: {  	s1 =	rddreg [dreg:$0x17];
	[sflag:s4] =	ssyncadd.s32 $0xFFFFF300  }
0xb5: {  	[hbm4b:s1+s2] =	stream.linear.scatter [tilespmem:s5], [sflag:$0x4], $0xD00, $0x38;
	[tilespmem:$0x1BA00] =	vst v63  }
0xb6: {  	_ =	swait.ge [sflag:s3], $0xD00  }
0xb7: {  	[sflag:s3] =	ssyncset.done $0x0  }
0xb8: {  	[sflag:s3] =	ssyncadd.s32 $0xFFFFF300  }
0xb9: {  	_ =	swait.ge [sflag:s3], $0xD00  }
0xba: {  	[sflag:s3] =	ssyncset.done $0x0  }
0xbb: {  	[sflag:s3] =	ssyncadd.s32 $0xFFFFF300  }
0xbc: {  	_ =	swait.ge [sflag:s3], $0xD00  }
0xbd: {  	[sflag:s3] =	ssyncset.done $0x0  }
0xbe: {  	[sflag:s3] =	ssyncadd.s32 $0xFFFFF300  }
0xbf: {  	_ =	swait.ge [sflag:s3], $0xD00  }
0xc0: {  	[sflag:s3] =	ssyncset.done $0x0  }
0xc1: {  	[sflag:s3] =	ssyncadd.s32 $0xFFFFF300  }
0xc2: {  	_ =	swait.ge [sflag:s3], $0xD00  }
0xc3: {  	[sflag:s3] =	ssyncset.done $0x0  }
0xc4: {  	[sflag:s3] =	ssyncadd.s32 $0xFFFFF300  }
0xc5: {  	_ =	swait.ge [sflag:s3], $0xD00  }
0xc6: {  	[sflag:s3] =	ssyncset.done $0x0  }
0xc7: {  	[sflag:s3] =	ssyncadd.s32 $0xFFFFF300  }
0xc8: {  	_ =	swait.ge [sflag:s3], $0xD00  }
0xc9: {  	[sflag:s3] =	ssyncset.done $0x0  }
0xca: {  	[sflag:s3] =	ssyncadd.s32 $0xFFFFF300  }
0xcb: {  	_ =	swait.ge [sflag:s3], $0xD00  }
0xcc: {  	[sflag:s3] =	ssyncset.done $0x0  }
0xcd: {  	[sflag:s3] =	ssyncadd.s32 $0xFFFFF300  }
0xce: {  	_ =	swait.ge [sflag:s3], $0xD00  }
0xcf: {  	[sflag:s3] =	ssyncset.done $0x0  }
0xd0: {  	[sflag:s3] =	ssyncadd.s32 $0xFFFFF300  }
0xd1: {  	_ =	swait.ge [sflag:s3], $0xD00  }
0xd2: {  	[sflag:s3] =	ssyncset.done $0x0  }
0xd3: {  	[sflag:s3] =	ssyncadd.s32 $0xFFFFF300  }
0xd4: {  	_ =	swait.ge [sflag:s3], $0xD00  }
0xd5: {  	[sflag:s3] =	ssyncset.done $0x0  }
0xd6: {  	[sflag:s3] =	ssyncadd.s32 $0xFFFFF300  }
0xd7: {  	_ =	swait.ge [sflag:s3], $0xD00  }
0xd8: {  	[sflag:s3] =	ssyncset.done $0x0  }
0xd9: {  	[sflag:s3] =	ssyncadd.s32 $0xFFFFF300  }
0xda: {  	_ =	swait.ge [sflag:s3], $0xD00  }
0xdb: {  	[sflag:s3] =	ssyncset.done $0x0  }
0xdc: {  	[sflag:s3] =	ssyncadd.s32 $0xFFFFF300  }
0xdd: {  	_ =	swait.ge [sflag:s3], $0xD00  }
0xde: {  	[sflag:s3] =	ssyncset.done $0x0  }
0xdf: {  	[sflag:s3] =	ssyncadd.s32 $0xFFFFF300  }
0xe0: {  	_ =	swait.ge [sflag:s3], $0xD00  }
0xe1: {  	[sflag:s3] =	ssyncset.done $0x0  }
0xe2: {  	[sflag:s3] =	ssyncadd.s32 $0xFFFFF300  }
0xe3: {  	_ =	swait.ge [sflag:s3], $0xD00  }
0xe4: {  	s1 =	sld [smem:$0x7FA];
	_ =	sdelay $0x2  }
0xe5: {  	p1 =	sne.s32 s1, $0x1  }
.Ltmp1:
0xe6: {  	_ = 	snop;
	(pc) =	sbr.rel @!p1 .LBB2_3-.Ltmp1, $4  }
0xe7: {  	[sflag:s3] =	ssyncset.done $0x0  }
0xe8: {  	[sflag:s3] =	ssyncadd.s32 $0xFFFFF300  }
0xe9: {  	p0 =	por $0x1, $0x1;
	_ =	swait.ge [sflag:s3], $0xD00  }
0xea: {  	s0 =	sadd.s32 $0xFFFFFFFF, s1;
	s1 =	rddreg [dreg:$0x3];
	[sflag:s3] =	ssyncset.done $0x0  }
.LBB2_2:
0xeb: {  	[sflag:s3] =	ssyncadd.s32 $0xFFFFF300  }
0xec: {  	[tilespmem:s2], [sflag:$0x1] =	stream.linear.gather [hbm4b:s1+s2], $0x3400, $0x38;
	[tilespmem:$0x1BA00] =	vst v63  }
0xed: {  	s5 =	rddreg [dreg:$0x4]  }
0xee: {  	[tilespmem:s29], [sflag:$0x1] =	stream.linear.gather [hbm4b:s5+s2], $0x3400, $0x38;
	[tilespmem:$0x1BA00] =	vst v63  }
0xef: {  	s1 =	rddreg [dreg:$0x5]  }
0xf0: {  	[tilespmem:s28], [sflag:$0x1] =	stream.linear.gather [hbm4b:s1+s2], $0x3400, $0x38;
	[tilespmem:$0x1BA00] =	vst v63  }
0xf1: {  	s5 =	rddreg [dreg:$0x6]  }
0xf2: {  	[tilespmem:s26], [sflag:$0x1] =	stream.linear.gather [hbm4b:s5+s2], $0x3400, $0x38;
	[tilespmem:$0x1BA00] =	vst v63  }
0xf3: {  	s1 =	rddreg [dreg:$0x7]  }
0xf4: {  	[tilespmem:s31], [sflag:$0x3] =	stream.linear.gather [hbm4b:s1+s2], $0xD00, $0x38;
	[tilespmem:$0x1BA00] =	vst v63  }
0xf5: {  	_ =	swait.ge [sflag:s4], $0xD00  }
0xf6: {  	[sflag:s4] =	ssyncset.done $0x0  }
0xf7: {  	s8 =	simm.s32 $0x1AD00;
	s5 =	rddreg [dreg:$0x2];
	[sflag:s4] =	ssyncadd.s32 $0xFFFFF300  }
0xf8: {  	[tilespmem:s8], [sflag:$0x3] =	stream.indirect.gather [hbm4b:s5+s25], $0x1, s31, s25, $0xb8;
	[tilespmem:$0x1BA00] =	vst v63  }
0xf9: {  	_ =	swait.ge [sflag:s7], $0x3400  }
0xfa: {  	[sflag:s7] =	ssyncset.done $0x0  }
0xfb: {  	[sflag:s7] =	ssyncadd.s32 $0xFFFFCC00  }
0xfc: {  	_ =	swait.ge [sflag:s7], $0x3400  }
0xfd: {  	[sflag:s7] =	ssyncset.done $0x0  }
0xfe: {  	[sflag:s7] =	ssyncadd.s32 $0xFFFFCC00  }
0xff: {  	_ =	swait.ge [sflag:s7], $0x3400  }
0x100: {  	[sflag:s7] =	ssyncset.done $0x0  }
0x101: {  	[sflag:s7] =	ssyncadd.s32 $0xFFFFCC00  }
0x102: {  	_ =	swait.ge [sflag:s7], $0x3400  }
0x103: {  	[sflag:s7] =	ssyncset.done $0x0  }
0x104: {  	[sflag:s7] =	ssyncadd.s32 $0xFFFFCC00  }
0x105: {  	[tilespmem:s16], [sflag:$0x2] =	stream.indirect.gather [hbm4b:s21+s25], $0x1, s2, s25, $0xb8;
	[tilespmem:$0x1BA00] =	vst v63  }
0x106: {  	_ = 	snop  }
0x107: {  	[tilespmem:s17], [sflag:$0x2] =	stream.indirect.gather [hbm4b:s21+s25], $0x1, s25, s25, $0xb8;
	[tilespmem:$0x1BA00] =	vst v63  }
0x108: {  	s1 =	rddreg [dreg:$0x18]  }
0x109: {  	[tilespmem:s18], [sflag:$0x2] =	stream.indirect.gather [hbm4b:s21+s25], $0x1, s1, s25, $0xb8;
	[tilespmem:$0x1BA00] =	vst v63  }
0x10a: {  	s5 =	rddreg [dreg:$0x19]  }
0x10b: {  	[tilespmem:s19], [sflag:$0x2] =	stream.indirect.gather [hbm4b:s21+s25], $0x1, s5, s25, $0xb8;
	[tilespmem:$0x1BA00] =	vst v63  }
0x10c: {  	_ = 	snop  }
0x10d: {  	[tilespmem:s20], [sflag:$0x2] =	stream.indirect.gather [hbm4b:s21+s25], $0x1, s29, s25, $0xb8;
	[tilespmem:$0x1BA00] =	vst v63  }
0x10e: {  	s1 =	rddreg [dreg:$0x1a]  }
0x10f: {  	[tilespmem:s22], [sflag:$0x2] =	stream.indirect.gather [hbm4b:s21+s25], $0x1, s1, s25, $0xb8;
	[tilespmem:$0x1BA00] =	vst v63  }
0x110: {  	s5 =	rddreg [dreg:$0x1b]  }
0x111: {  	[tilespmem:s23], [sflag:$0x2] =	stream.indirect.gather [hbm4b:s21+s25], $0x1, s5, s25, $0xb8;
	[tilespmem:$0x1BA00] =	vst v63  }
0x112: {  	s1 =	rddreg [dreg:$0x1c]  }
0x113: {  	[tilespmem:s24], [sflag:$0x2] =	stream.indirect.gather [hbm4b:s21+s25], $0x1, s1, s25, $0xb8;
	[tilespmem:$0x1BA00] =	vst v63  }
0x114: {  	s8 =	simm.s32 $0x13800  }
0x115: {  	[tilespmem:s8], [sflag:$0x1] =	stream.indirect.gather [hbm4b:s21+s25], $0x1, s28, s25, $0xb8;
	[tilespmem:$0x1BA00] =	vst v63  }
0x116: {  	s1 =	rddreg [dreg:$0x1d]  }
0x117: {  	[tilespmem:s9], [sflag:$0x1] =	stream.indirect.gather [hbm4b:s21+s25], $0x1, s1, s25, $0xb8;
	[tilespmem:$0x1BA00] =	vst v63  }
0x118: {  	s5 =	rddreg [dreg:$0x1e]  }
0x119: {  	[tilespmem:s10], [sflag:$0x1] =	stream.indirect.gather [hbm4b:s21+s25], $0x1, s5, s25, $0xb8;
	[tilespmem:$0x1BA00] =	vst v63  }
0x11a: {  	s1 =	rddreg [dreg:$0x1f]  }
0x11b: {  	[tilespmem:s11], [sflag:$0x1] =	stream.indirect.gather [hbm4b:s21+s25], $0x1, s1, s25, $0xb8;
	[tilespmem:$0x1BA00] =	vst v63  }
0x11c: {  	s1 =	sld [smem:$0x7FB]  }
0x11d: {  	[tilespmem:s15], [sflag:$0x1] =	stream.indirect.gather [hbm4b:s21+s25], $0x1, s26, s25, $0xb8;
	[tilespmem:$0x1BA00] =	vst v63  }
0x11e: {  	s5 =	sld [smem:$0x7FC]  }
0x11f: {  	[tilespmem:s14], [sflag:$0x1] =	stream.indirect.gather [hbm4b:s21+s25], $0x1, s1, s25, $0xb8;
	[tilespmem:$0x1BA00] =	vst v63  }
0x120: {  	s1 =	sld [smem:$0x7FD]  }
0x121: {  	[tilespmem:s12], [sflag:$0x1] =	stream.indirect.gather [hbm4b:s21+s25], $0x1, s5, s25, $0xb8;
	[tilespmem:$0x1BA00] =	vst v63  }
0x122: {  	_ = 	snop  }
0x123: {  	[tilespmem:s13], [sflag:$0x1] =	stream.indirect.gather [hbm4b:s21+s25], $0x1, s1, s25, $0xb8;
	[tilespmem:$0x1BA00] =	vst v63  }
0x124: {  	_ =	swait.ge [sflag:s30], $0xD00  }
0x125: {  	[sflag:s30] =	ssyncset.done $0x0  }
0x126: {  	[sflag:s30] =	ssyncadd.s32 $0xFFFFF300  }
0x127: {  	_ =	swait.ge [sflag:s30], $0xD00  }
0x128: {  	[sflag:s30] =	ssyncset.done $0x0  }
0x129: {  	[sflag:s30] =	ssyncadd.s32 $0xFFFFF300  }
0x12a: {  	_ =	swait.ge [sflag:s30], $0xD00  }
0x12b: {  	[sflag:s30] =	ssyncset.done $0x0  }
0x12c: {  	[sflag:s30] =	ssyncadd.s32 $0xFFFFF300  }
0x12d: {  	_ =	swait.ge [sflag:s30], $0xD00  }
0x12e: {  	[sflag:s30] =	ssyncset.done $0x0  }
0x12f: {  	[sflag:s30] =	ssyncadd.s32 $0xFFFFF300  }
0x130: {  	_ =	swait.ge [sflag:s30], $0xD00  }
0x131: {  	[sflag:s30] =	ssyncset.done $0x0  }
0x132: {  	[sflag:s30] =	ssyncadd.s32 $0xFFFFF300  }
0x133: {  	_ =	swait.ge [sflag:s30], $0xD00  }
0x134: {  	[sflag:s30] =	ssyncset.done $0x0  }
0x135: {  	[sflag:s30] =	ssyncadd.s32 $0xFFFFF300  }
0x136: {  	_ =	swait.ge [sflag:s30], $0xD00  }
0x137: {  	[sflag:s30] =	ssyncset.done $0x0  }
0x138: {  	[sflag:s30] =	ssyncadd.s32 $0xFFFFF300  }
0x139: {  	_ =	swait.ge [sflag:s30], $0xD00  }
0x13a: {  	[sflag:s30] =	ssyncset.done $0x0  }
0x13b: {  	[sflag:s30] =	ssyncadd.s32 $0xFFFFF300  }
0x13c: {  	[hbm4b:s6+s2] =	stream.linear.scatter [tilespmem:s16], [sflag:$0x4], $0xD00, $0x38;
	[tilespmem:$0x1BA00] =	vst v63  }
0x13d: {  	s1 =	rddreg [dreg:$0x8]  }
0x13e: {  	[hbm4b:s1+s2] =	stream.linear.scatter [tilespmem:s17], [sflag:$0x4], $0xD00, $0x38;
	[tilespmem:$0x1BA00] =	vst v63  }
0x13f: {  	s5 =	rddreg [dreg:$0x9]  }
0x140: {  	[hbm4b:s5+s2] =	stream.linear.scatter [tilespmem:s18], [sflag:$0x4], $0xD00, $0x38;
	[tilespmem:$0x1BA00] =	vst v63  }
0x141: {  	s1 =	rddreg [dreg:$0xa]  }
0x142: {  	[hbm4b:s1+s2] =	stream.linear.scatter [tilespmem:s19], [sflag:$0x4], $0xD00, $0x38;
	[tilespmem:$0x1BA00] =	vst v63  }
0x143: {  	s5 =	rddreg [dreg:$0xb]  }
0x144: {  	[hbm4b:s5+s2] =	stream.linear.scatter [tilespmem:s20], [sflag:$0x4], $0xD00, $0x38;
	[tilespmem:$0x1BA00] =	vst v63  }
0x145: {  	s1 =	rddreg [dreg:$0xc]  }
0x146: {  	[hbm4b:s1+s2] =	stream.linear.scatter [tilespmem:s22], [sflag:$0x4], $0xD00, $0x38;
	[tilespmem:$0x1BA00] =	vst v63  }
0x147: {  	s5 =	rddreg [dreg:$0xd]  }
0x148: {  	[hbm4b:s5+s2] =	stream.linear.scatter [tilespmem:s23], [sflag:$0x4], $0xD00, $0x38;
	[tilespmem:$0x1BA00] =	vst v63  }
0x149: {  	s1 =	rddreg [dreg:$0xe]  }
0x14a: {  	[hbm4b:s1+s2] =	stream.linear.scatter [tilespmem:s24], [sflag:$0x4], $0xD00, $0x38;
	[tilespmem:$0x1BA00] =	vst v63  }
0x14b: {  	_ =	swait.ge [sflag:s7], $0xD00  }
0x14c: {  	[sflag:s7] =	ssyncset.done $0x0  }
0x14d: {  	[sflag:s7] =	ssyncadd.s32 $0xFFFFF300  }
0x14e: {  	_ =	swait.ge [sflag:s7], $0xD00  }
0x14f: {  	[sflag:s7] =	ssyncset.done $0x0  }
0x150: {  	[sflag:s7] =	ssyncadd.s32 $0xFFFFF300  }
0x151: {  	_ =	swait.ge [sflag:s7], $0xD00  }
0x152: {  	[sflag:s7] =	ssyncset.done $0x0  }
0x153: {  	[sflag:s7] =	ssyncadd.s32 $0xFFFFF300  }
0x154: {  	_ =	swait.ge [sflag:s7], $0xD00  }
0x155: {  	[sflag:s7] =	ssyncset.done $0x0  }
0x156: {  	[sflag:s7] =	ssyncadd.s32 $0xFFFFF300  }
0x157: {  	_ =	swait.ge [sflag:s7], $0xD00  }
0x158: {  	[sflag:s7] =	ssyncset.done $0x0  }
0x159: {  	[sflag:s7] =	ssyncadd.s32 $0xFFFFF300  }
0x15a: {  	_ =	swait.ge [sflag:s7], $0xD00  }
0x15b: {  	[sflag:s7] =	ssyncset.done $0x0  }
0x15c: {  	[sflag:s7] =	ssyncadd.s32 $0xFFFFF300  }
0x15d: {  	_ =	swait.ge [sflag:s7], $0xD00  }
0x15e: {  	[sflag:s7] =	ssyncset.done $0x0  }
0x15f: {  	[sflag:s7] =	ssyncadd.s32 $0xFFFFF300  }
0x160: {  	_ =	swait.ge [sflag:s7], $0xD00  }
0x161: {  	[sflag:s7] =	ssyncset.done $0x0  }
0x162: {  	s1 =	rddreg [dreg:$0xf];
	[sflag:s7] =	ssyncadd.s32 $0xFFFFF300  }
0x163: {  	[hbm4b:s1+s2] =	stream.linear.scatter [tilespmem:s8], [sflag:$0x4], $0xD00, $0x38;
	[tilespmem:$0x1BA00] =	vst v63  }
0x164: {  	s5 =	rddreg [dreg:$0x10]  }
0x165: {  	[hbm4b:s5+s2] =	stream.linear.scatter [tilespmem:s9], [sflag:$0x4], $0xD00, $0x38;
	[tilespmem:$0x1BA00] =	vst v63  }
0x166: {  	s1 =	rddreg [dreg:$0x11]  }
0x167: {  	[hbm4b:s1+s2] =	stream.linear.scatter [tilespmem:s10], [sflag:$0x4], $0xD00, $0x38;
	[tilespmem:$0x1BA00] =	vst v63  }
0x168: {  	s5 =	rddreg [dreg:$0x12]  }
0x169: {  	[hbm4b:s5+s2] =	stream.linear.scatter [tilespmem:s11], [sflag:$0x4], $0xD00, $0x38;
	[tilespmem:$0x1BA00] =	vst v63  }
0x16a: {  	s1 =	rddreg [dreg:$0x13]  }
0x16b: {  	[hbm4b:s1+s2] =	stream.linear.scatter [tilespmem:s15], [sflag:$0x4], $0xD00, $0x38;
	[tilespmem:$0x1BA00] =	vst v63  }
0x16c: {  	s5 =	rddreg [dreg:$0x14]  }
0x16d: {  	[hbm4b:s5+s2] =	stream.linear.scatter [tilespmem:s14], [sflag:$0x4], $0xD00, $0x38;
	[tilespmem:$0x1BA00] =	vst v63  }
0x16e: {  	s1 =	rddreg [dreg:$0x15]  }
0x16f: {  	[hbm4b:s1+s2] =	stream.linear.scatter [tilespmem:s12], [sflag:$0x4], $0xD00, $0x38;
	[tilespmem:$0x1BA00] =	vst v63  }
0x170: {  	s5 =	rddreg [dreg:$0x16]  }
0x171: {  	[hbm4b:s5+s2] =	stream.linear.scatter [tilespmem:s13], [sflag:$0x4], $0xD00, $0x38;
	[tilespmem:$0x1BA00] =	vst v63  }
0x172: {  	_ =	swait.ge [sflag:s4], $0xD00  }
0x173: {  	[sflag:s4] =	ssyncset.done $0x0  }
0x174: {  	s5 =	simm.s32 $0x1AD00;
	s1 =	rddreg [dreg:$0x17];
	[sflag:s4] =	ssyncadd.s32 $0xFFFFF300  }
0x175: {  	[hbm4b:s1+s2] =	stream.linear.scatter [tilespmem:s5], [sflag:$0x4], $0xD00, $0x38;
	[tilespmem:$0x1BA00] =	vst v63  }
0x176: {  	_ =	swait.ge [sflag:s3], $0xD00  }
0x177: {  	[sflag:s3] =	ssyncset.done $0x0  }
0x178: {  	[sflag:s3] =	ssyncadd.s32 $0xFFFFF300  }
0x179: {  	_ =	swait.ge [sflag:s3], $0xD00  }
0x17a: {  	[sflag:s3] =	ssyncset.done $0x0  }
0x17b: {  	[sflag:s3] =	ssyncadd.s32 $0xFFFFF300  }
0x17c: {  	_ =	swait.ge [sflag:s3], $0xD00  }
0x17d: {  	[sflag:s3] =	ssyncset.done $0x0  }
0x17e: {  	[sflag:s3] =	ssyncadd.s32 $0xFFFFF300  }
0x17f: {  	_ =	swait.ge [sflag:s3], $0xD00  }
0x180: {  	[sflag:s3] =	ssyncset.done $0x0  }
0x181: {  	[sflag:s3] =	ssyncadd.s32 $0xFFFFF300  }
0x182: {  	_ =	swait.ge [sflag:s3], $0xD00  }
0x183: {  	[sflag:s3] =	ssyncset.done $0x0  }
0x184: {  	[sflag:s3] =	ssyncadd.s32 $0xFFFFF300  }
0x185: {  	_ =	swait.ge [sflag:s3], $0xD00  }
0x186: {  	[sflag:s3] =	ssyncset.done $0x0  }
0x187: {  	[sflag:s3] =	ssyncadd.s32 $0xFFFFF300  }
0x188: {  	_ =	swait.ge [sflag:s3], $0xD00  }
0x189: {  	[sflag:s3] =	ssyncset.done $0x0  }
0x18a: {  	[sflag:s3] =	ssyncadd.s32 $0xFFFFF300  }
0x18b: {  	_ =	swait.ge [sflag:s3], $0xD00  }
0x18c: {  	[sflag:s3] =	ssyncset.done $0x0  }
0x18d: {  	[sflag:s3] =	ssyncadd.s32 $0xFFFFF300  }
0x18e: {  	_ =	swait.ge [sflag:s3], $0xD00  }
0x18f: {  	[sflag:s3] =	ssyncset.done $0x0  }
0x190: {  	[sflag:s3] =	ssyncadd.s32 $0xFFFFF300  }
0x191: {  	_ =	swait.ge [sflag:s3], $0xD00  }
0x192: {  	[sflag:s3] =	ssyncset.done $0x0  }
0x193: {  	[sflag:s3] =	ssyncadd.s32 $0xFFFFF300  }
0x194: {  	_ =	swait.ge [sflag:s3], $0xD00  }
0x195: {  	[sflag:s3] =	ssyncset.done $0x0  }
0x196: {  	[sflag:s3] =	ssyncadd.s32 $0xFFFFF300  }
0x197: {  	_ =	swait.ge [sflag:s3], $0xD00  }
0x198: {  	[sflag:s3] =	ssyncset.done $0x0  }
0x199: {  	[sflag:s3] =	ssyncadd.s32 $0xFFFFF300  }
0x19a: {  	_ =	swait.ge [sflag:s3], $0xD00  }
0x19b: {  	[sflag:s3] =	ssyncset.done $0x0  }
0x19c: {  	[sflag:s3] =	ssyncadd.s32 $0xFFFFF300  }
0x19d: {  	_ =	swait.ge [sflag:s3], $0xD00  }
0x19e: {  	[sflag:s3] =	ssyncset.done $0x0  }
0x19f: {  	[sflag:s3] =	ssyncadd.s32 $0xFFFFF300  }
0x1a0: {  	_ =	swait.ge [sflag:s3], $0xD00  }
0x1a1: {  	[sflag:s3] =	ssyncset.done $0x0  }
0x1a2: {  	p1 =	sne.s32 s0, $0x1;
	[sflag:s3] =	ssyncadd.s32 $0xFFFFF300  }
.Ltmp2:
0x1a3: {  	_ =	swait.ge [sflag:s3], $0xD00;
	(pc) =	sbr.rel @p1 .LBB2_2-.Ltmp2, $4  }
0x1a4: {  	[sflag:s3] =	ssyncset.done $0x0  }
0x1a5: {  	[sflag:s3] =	ssyncadd.s32 $0xFFFFF300  }
0x1a6: {  	_ =	swait.ge [sflag:s3], $0xD00  }
0x1a7: {  	s0 =	sadd.s32 $0xFFFFFFFF, s0;
	s1 =	rddreg [dreg:$0x3];
	[sflag:s3] =	ssyncset.done $0x0  }
.LBB2_3:
0x1a8: {  	[sflag:s3] =	ssyncadd.s32 @p0 $0xFFFFF300  }
0x1a9: {  	[tilespmem:s2], [sflag:$0x1] =	stream.linear.gather [hbm4b:s1+s2], $0x3400, $0x38;
	[tilespmem:$0x1BA00] =	vst v63  }
0x1aa: {  	s0 =	rddreg [dreg:$0x4]  }
0x1ab: {  	[tilespmem:s29], [sflag:$0x1] =	stream.linear.gather [hbm4b:s0+s2], $0x3400, $0x38;
	[tilespmem:$0x1BA00] =	vst v63  }
0x1ac: {  	s1 =	rddreg [dreg:$0x5]  }
0x1ad: {  	[tilespmem:s28], [sflag:$0x1] =	stream.linear.gather [hbm4b:s1+s2], $0x3400, $0x38;
	[tilespmem:$0x1BA00] =	vst v63  }
0x1ae: {  	s0 =	rddreg [dreg:$0x6]  }
0x1af: {  	[tilespmem:s26], [sflag:$0x1] =	stream.linear.gather [hbm4b:s0+s2], $0x3400, $0x38;
	[tilespmem:$0x1BA00] =	vst v63  }
0x1b0: {  	s1 =	rddreg [dreg:$0x7]  }
0x1b1: {  	[tilespmem:s31], [sflag:$0x3] =	stream.linear.gather [hbm4b:s1+s2], $0xD00, $0x38;
	[tilespmem:$0x1BA00] =	vst v63  }
0x1b2: {  	_ =	swait.ge [sflag:s4], $0xD00  }
0x1b3: {  	[sflag:s4] =	ssyncset.done $0x0  }
0x1b4: {  	s1 =	rddreg [dreg:$0x2];
	[sflag:s4] =	ssyncadd.s32 $0xFFFFF300  }
0x1b5: {  	[tilespmem:s5], [sflag:$0x3] =	stream.indirect.gather [hbm4b:s1+s25], $0x1, s31, s25, $0xb8;
	[tilespmem:$0x1BA00] =	vst v63  }
0x1b6: {  	_ =	swait.ge [sflag:s7], $0x3400  }
0x1b7: {  	[sflag:s7] =	ssyncset.done $0x0  }
0x1b8: {  	[sflag:s7] =	ssyncadd.s32 $0xFFFFCC00  }
0x1b9: {  	_ =	swait.ge [sflag:s7], $0x3400  }
0x1ba: {  	[sflag:s7] =	ssyncset.done $0x0  }
0x1bb: {  	[sflag:s7] =	ssyncadd.s32 $0xFFFFCC00  }
0x1bc: {  	_ =	swait.ge [sflag:s7], $0x3400  }
0x1bd: {  	[sflag:s7] =	ssyncset.done $0x0  }
0x1be: {  	[sflag:s7] =	ssyncadd.s32 $0xFFFFCC00  }
0x1bf: {  	_ =	swait.ge [sflag:s7], $0x3400  }
0x1c0: {  	[sflag:s7] =	ssyncset.done $0x0  }
0x1c1: {  	[sflag:s7] =	ssyncadd.s32 $0xFFFFCC00  }
0x1c2: {  	[tilespmem:s16], [sflag:$0x2] =	stream.indirect.gather [hbm4b:s21+s25], $0x1, s2, s25, $0xb8;
	[tilespmem:$0x1BA00] =	vst v63  }
0x1c3: {  	_ = 	snop  }
0x1c4: {  	[tilespmem:s17], [sflag:$0x2] =	stream.indirect.gather [hbm4b:s21+s25], $0x1, s25, s25, $0xb8;
	[tilespmem:$0x1BA00] =	vst v63  }
0x1c5: {  	s1 =	rddreg [dreg:$0x18]  }
0x1c6: {  	[tilespmem:s18], [sflag:$0x2] =	stream.indirect.gather [hbm4b:s21+s25], $0x1, s1, s25, $0xb8;
	[tilespmem:$0x1BA00] =	vst v63  }
0x1c7: {  	s31 =	rddreg [dreg:$0x19]  }
0x1c8: {  	[tilespmem:s19], [sflag:$0x2] =	stream.indirect.gather [hbm4b:s21+s25], $0x1, s31, s25, $0xb8;
	[tilespmem:$0x1BA00] =	vst v63  }
0x1c9: {  	_ = 	snop  }
0x1ca: {  	[tilespmem:s20], [sflag:$0x2] =	stream.indirect.gather [hbm4b:s21+s25], $0x1, s29, s25, $0xb8;
	[tilespmem:$0x1BA00] =	vst v63  }
0x1cb: {  	s1 =	rddreg [dreg:$0x1a]  }
0x1cc: {  	[tilespmem:s22], [sflag:$0x2] =	stream.indirect.gather [hbm4b:s21+s25], $0x1, s1, s25, $0xb8;
	[tilespmem:$0x1BA00] =	vst v63  }
0x1cd: {  	s29 =	rddreg [dreg:$0x1b]  }
0x1ce: {  	[tilespmem:s23], [sflag:$0x2] =	stream.indirect.gather [hbm4b:s21+s25], $0x1, s29, s25, $0xb8;
	[tilespmem:$0x1BA00] =	vst v63  }
0x1cf: {  	s31 =	rddreg [dreg:$0x1c]  }
0x1d0: {  	[tilespmem:s24], [sflag:$0x2] =	stream.indirect.gather [hbm4b:s21+s25], $0x1, s31, s25, $0xb8;
	[tilespmem:$0x1BA00] =	vst v63  }
0x1d1: {  	_ = 	snop  }
0x1d2: {  	[tilespmem:s8], [sflag:$0x1] =	stream.indirect.gather [hbm4b:s21+s25], $0x1, s28, s25, $0xb8;
	[tilespmem:$0x1BA00] =	vst v63  }
0x1d3: {  	s1 =	rddreg [dreg:$0x1d]  }
0x1d4: {  	[tilespmem:s9], [sflag:$0x1] =	stream.indirect.gather [hbm4b:s21+s25], $0x1, s1, s25, $0xb8;
	[tilespmem:$0x1BA00] =	vst v63  }
0x1d5: {  	s29 =	rddreg [dreg:$0x1e]  }
0x1d6: {  	[tilespmem:s10], [sflag:$0x1] =	stream.indirect.gather [hbm4b:s21+s25], $0x1, s29, s25, $0xb8;
	[tilespmem:$0x1BA00] =	vst v63  }
0x1d7: {  	s31 =	rddreg [dreg:$0x1f]  }
0x1d8: {  	[tilespmem:s11], [sflag:$0x1] =	stream.indirect.gather [hbm4b:s21+s25], $0x1, s31, s25, $0xb8;
	[tilespmem:$0x1BA00] =	vst v63  }
0x1d9: {  	s28 =	sld [smem:$0x7FB]  }
0x1da: {  	[tilespmem:s15], [sflag:$0x1] =	stream.indirect.gather [hbm4b:s21+s25], $0x1, s26, s25, $0xb8;
	[tilespmem:$0x1BA00] =	vst v63  }
0x1db: {  	s29 =	sld [smem:$0x7FC]  }
0x1dc: {  	[tilespmem:s14], [sflag:$0x1] =	stream.indirect.gather [hbm4b:s21+s25], $0x1, s28, s25, $0xb8;
	[tilespmem:$0x1BA00] =	vst v63  }
0x1dd: {  	s31 =	sld [smem:$0x7FD]  }
0x1de: {  	[tilespmem:s12], [sflag:$0x1] =	stream.indirect.gather [hbm4b:s21+s25], $0x1, s29, s25, $0xb8;
	[tilespmem:$0x1BA00] =	vst v63  }
0x1df: {  	_ = 	snop  }
0x1e0: {  	[tilespmem:s13], [sflag:$0x1] =	stream.indirect.gather [hbm4b:s21+s25], $0x1, s31, s25, $0xb8;
	[tilespmem:$0x1BA00] =	vst v63  }
0x1e1: {  	_ =	swait.ge [sflag:s30], $0xD00  }
0x1e2: {  	[sflag:s30] =	ssyncset.done $0x0  }
0x1e3: {  	[sflag:s30] =	ssyncadd.s32 $0xFFFFF300  }
0x1e4: {  	_ =	swait.ge [sflag:s30], $0xD00  }
0x1e5: {  	[sflag:s30] =	ssyncset.done $0x0  }
0x1e6: {  	[sflag:s30] =	ssyncadd.s32 $0xFFFFF300  }
0x1e7: {  	_ =	swait.ge [sflag:s30], $0xD00  }
0x1e8: {  	[sflag:s30] =	ssyncset.done $0x0  }
0x1e9: {  	[sflag:s30] =	ssyncadd.s32 $0xFFFFF300  }
0x1ea: {  	_ =	swait.ge [sflag:s30], $0xD00  }
0x1eb: {  	[sflag:s30] =	ssyncset.done $0x0  }
0x1ec: {  	[sflag:s30] =	ssyncadd.s32 $0xFFFFF300  }
0x1ed: {  	_ =	swait.ge [sflag:s30], $0xD00  }
0x1ee: {  	[sflag:s30] =	ssyncset.done $0x0  }
0x1ef: {  	[sflag:s30] =	ssyncadd.s32 $0xFFFFF300  }
0x1f0: {  	_ =	swait.ge [sflag:s30], $0xD00  }
0x1f1: {  	[sflag:s30] =	ssyncset.done $0x0  }
0x1f2: {  	[sflag:s30] =	ssyncadd.s32 $0xFFFFF300  }
0x1f3: {  	_ =	swait.ge [sflag:s30], $0xD00  }
0x1f4: {  	[sflag:s30] =	ssyncset.done $0x0  }
0x1f5: {  	[sflag:s30] =	ssyncadd.s32 $0xFFFFF300  }
0x1f6: {  	_ =	swait.ge [sflag:s30], $0xD00  }
0x1f7: {  	[sflag:s30] =	ssyncset.done $0x0  }
0x1f8: {  	[sflag:s30] =	ssyncadd.s32 $0xFFFFF300  }
0x1f9: {  	[hbm4b:s6+s2] =	stream.linear.scatter [tilespmem:s16], [sflag:$0x4], $0xD00, $0x38;
	[tilespmem:$0x1BA00] =	vst v63  }
0x1fa: {  	s1 =	rddreg [dreg:$0x8]  }
0x1fb: {  	[hbm4b:s1+s2] =	stream.linear.scatter [tilespmem:s17], [sflag:$0x4], $0xD00, $0x38;
	[tilespmem:$0x1BA00] =	vst v63  }
0x1fc: {  	s6 =	rddreg [dreg:$0x9]  }
0x1fd: {  	[hbm4b:s6+s2] =	stream.linear.scatter [tilespmem:s18], [sflag:$0x4], $0xD00, $0x38;
	[tilespmem:$0x1BA00] =	vst v63  }
0x1fe: {  	s16 =	rddreg [dreg:$0xa]  }
0x1ff: {  	[hbm4b:s16+s2] =	stream.linear.scatter [tilespmem:s19], [sflag:$0x4], $0xD00, $0x38;
	[tilespmem:$0x1BA00] =	vst v63  }
0x200: {  	s17 =	rddreg [dreg:$0xb]  }
0x201: {  	[hbm4b:s17+s2] =	stream.linear.scatter [tilespmem:s20], [sflag:$0x4], $0xD00, $0x38;
	[tilespmem:$0x1BA00] =	vst v63  }
0x202: {  	s18 =	rddreg [dreg:$0xc]  }
0x203: {  	[hbm4b:s18+s2] =	stream.linear.scatter [tilespmem:s22], [sflag:$0x4], $0xD00, $0x38;
	[tilespmem:$0x1BA00] =	vst v63  }
0x204: {  	s19 =	rddreg [dreg:$0xd]  }
0x205: {  	[hbm4b:s19+s2] =	stream.linear.scatter [tilespmem:s23], [sflag:$0x4], $0xD00, $0x38;
	[tilespmem:$0x1BA00] =	vst v63  }
0x206: {  	s20 =	rddreg [dreg:$0xe]  }
0x207: {  	[hbm4b:s20+s2] =	stream.linear.scatter [tilespmem:s24], [sflag:$0x4], $0xD00, $0x38;
	[tilespmem:$0x1BA00] =	vst v63  }
0x208: {  	_ =	swait.ge [sflag:s7], $0xD00  }
0x209: {  	[sflag:s7] =	ssyncset.done $0x0  }
0x20a: {  	[sflag:s7] =	ssyncadd.s32 $0xFFFFF300  }
0x20b: {  	_ =	swait.ge [sflag:s7], $0xD00  }
0x20c: {  	[sflag:s7] =	ssyncset.done $0x0  }
0x20d: {  	[sflag:s7] =	ssyncadd.s32 $0xFFFFF300  }
0x20e: {  	_ =	swait.ge [sflag:s7], $0xD00  }
0x20f: {  	[sflag:s7] =	ssyncset.done $0x0  }
0x210: {  	[sflag:s7] =	ssyncadd.s32 $0xFFFFF300  }
0x211: {  	_ =	swait.ge [sflag:s7], $0xD00  }
0x212: {  	[sflag:s7] =	ssyncset.done $0x0  }
0x213: {  	[sflag:s7] =	ssyncadd.s32 $0xFFFFF300  }
0x214: {  	_ =	swait.ge [sflag:s7], $0xD00  }
0x215: {  	[sflag:s7] =	ssyncset.done $0x0  }
0x216: {  	[sflag:s7] =	ssyncadd.s32 $0xFFFFF300  }
0x217: {  	_ =	swait.ge [sflag:s7], $0xD00  }
0x218: {  	[sflag:s7] =	ssyncset.done $0x0  }
0x219: {  	[sflag:s7] =	ssyncadd.s32 $0xFFFFF300  }
0x21a: {  	_ =	swait.ge [sflag:s7], $0xD00  }
0x21b: {  	[sflag:s7] =	ssyncset.done $0x0  }
0x21c: {  	[sflag:s7] =	ssyncadd.s32 $0xFFFFF300  }
0x21d: {  	_ =	swait.ge [sflag:s7], $0xD00  }
0x21e: {  	[sflag:s7] =	ssyncset.done $0x0  }
0x21f: {  	s21 =	rddreg [dreg:$0xf];
	[sflag:s7] =	ssyncadd.s32 $0xFFFFF300  }
0x220: {  	[hbm4b:s21+s2] =	stream.linear.scatter [tilespmem:s8], [sflag:$0x4], $0xD00, $0x38;
	[tilespmem:$0x1BA00] =	vst v63  }
0x221: {  	s22 =	rddreg [dreg:$0x10]  }
0x222: {  	[hbm4b:s22+s2] =	stream.linear.scatter [tilespmem:s9], [sflag:$0x4], $0xD00, $0x38;
	[tilespmem:$0x1BA00] =	vst v63  }
0x223: {  	s23 =	rddreg [dreg:$0x11]  }
0x224: {  	[hbm4b:s23+s2] =	stream.linear.scatter [tilespmem:s10], [sflag:$0x4], $0xD00, $0x38;
	[tilespmem:$0x1BA00] =	vst v63  }
0x225: {  	s24 =	rddreg [dreg:$0x12]  }
0x226: {  	[hbm4b:s24+s2] =	stream.linear.scatter [tilespmem:s11], [sflag:$0x4], $0xD00, $0x38;
	[tilespmem:$0x1BA00] =	vst v63  }
0x227: {  	s25 =	rddreg [dreg:$0x13]  }
0x228: {  	[hbm4b:s25+s2] =	stream.linear.scatter [tilespmem:s15], [sflag:$0x4], $0xD00, $0x38;
	[tilespmem:$0x1BA00] =	vst v63  }
0x229: {  	s26 =	rddreg [dreg:$0x14]  }
0x22a: {  	[hbm4b:s26+s2] =	stream.linear.scatter [tilespmem:s14], [sflag:$0x4], $0xD00, $0x38;
	[tilespmem:$0x1BA00] =	vst v63  }
0x22b: {  	s28 =	rddreg [dreg:$0x15]  }
0x22c: {  	[hbm4b:s28+s2] =	stream.linear.scatter [tilespmem:s12], [sflag:$0x4], $0xD00, $0x38;
	[tilespmem:$0x1BA00] =	vst v63  }
0x22d: {  	s29 =	rddreg [dreg:$0x16]  }
0x22e: {  	[hbm4b:s29+s2] =	stream.linear.scatter [tilespmem:s13], [sflag:$0x4], $0xD00, $0x38;
	[tilespmem:$0x1BA00] =	vst v63  }
0x22f: {  	_ =	swait.ge [sflag:s4], $0xD00  }
0x230: {  	[sflag:s4] =	ssyncset.done $0x0  }
0x231: {  	s30 =	rddreg [dreg:$0x17];
	[sflag:s4] =	ssyncadd.s32 $0xFFFFF300  }
0x232: {  	[hbm4b:s30+s2] =	stream.linear.scatter [tilespmem:s5], [sflag:$0x4], $0xD00, $0x38;
	[tilespmem:$0x1BA00] =	vst v63  }
0x233: {  	_ =	swait.ge [sflag:s3], $0xD00  }
0x234: {  	[sflag:s3] =	ssyncset.done $0x0  }
0x235: {  	[sflag:s3] =	ssyncadd.s32 $0xFFFFF300  }
0x236: {  	_ =	swait.ge [sflag:s3], $0xD00  }
0x237: {  	[sflag:s3] =	ssyncset.done $0x0  }
0x238: {  	[sflag:s3] =	ssyncadd.s32 $0xFFFFF300  }
0x239: {  	_ =	swait.ge [sflag:s3], $0xD00  }
0x23a: {  	[sflag:s3] =	ssyncset.done $0x0  }
0x23b: {  	[sflag:s3] =	ssyncadd.s32 $0xFFFFF300  }
0x23c: {  	_ =	swait.ge [sflag:s3], $0xD00  }
0x23d: {  	[sflag:s3] =	ssyncset.done $0x0  }
0x23e: {  	[sflag:s3] =	ssyncadd.s32 $0xFFFFF300  }
0x23f: {  	_ =	swait.ge [sflag:s3], $0xD00  }
0x240: {  	[sflag:s3] =	ssyncset.done $0x0  }
0x241: {  	[sflag:s3] =	ssyncadd.s32 $0xFFFFF300  }
0x242: {  	_ =	swait.ge [sflag:s3], $0xD00  }
0x243: {  	[sflag:s3] =	ssyncset.done $0x0  }
0x244: {  	[sflag:s3] =	ssyncadd.s32 $0xFFFFF300  }
0x245: {  	_ =	swait.ge [sflag:s3], $0xD00  }
0x246: {  	[sflag:s3] =	ssyncset.done $0x0  }
0x247: {  	[sflag:s3] =	ssyncadd.s32 $0xFFFFF300  }
0x248: {  	_ =	swait.ge [sflag:s3], $0xD00  }
0x249: {  	[sflag:s3] =	ssyncset.done $0x0  }
0x24a: {  	[sflag:s3] =	ssyncadd.s32 $0xFFFFF300  }
0x24b: {  	_ =	swait.ge [sflag:s3], $0xD00  }
0x24c: {  	[sflag:s3] =	ssyncset.done $0x0  }
0x24d: {  	[sflag:s3] =	ssyncadd.s32 $0xFFFFF300  }
0x24e: {  	_ =	swait.ge [sflag:s3], $0xD00  }
0x24f: {  	[sflag:s3] =	ssyncset.done $0x0  }
0x250: {  	[sflag:s3] =	ssyncadd.s32 $0xFFFFF300  }
0x251: {  	_ =	swait.ge [sflag:s3], $0xD00  }
0x252: {  	[sflag:s3] =	ssyncset.done $0x0  }
0x253: {  	[sflag:s3] =	ssyncadd.s32 $0xFFFFF300  }
0x254: {  	_ =	swait.ge [sflag:s3], $0xD00  }
0x255: {  	[sflag:s3] =	ssyncset.done $0x0  }
0x256: {  	[sflag:s3] =	ssyncadd.s32 $0xFFFFF300  }
0x257: {  	_ =	swait.ge [sflag:s3], $0xD00  }
0x258: {  	[sflag:s3] =	ssyncset.done $0x0  }
0x259: {  	[sflag:s3] =	ssyncadd.s32 $0xFFFFF300  }
0x25a: {  	_ =	swait.ge [sflag:s3], $0xD00  }
0x25b: {  	[sflag:s3] =	ssyncset.done $0x0  }
0x25c: {  	[sflag:s3] =	ssyncadd.s32 $0xFFFFF300  }
0x25d: {  	_ =	swait.ge [sflag:s3], $0xD00  }
0x25e: {  	[sflag:s3] =	ssyncset.done $0x0  }
0x25f: {  	[sflag:s3] =	ssyncadd.s32 $0xFFFFF300  }
0x260: {  	_ =	swait.ge [sflag:s3], $0xD00  }
0x261: {  	[sflag:s3] =	ssyncset.done $0x0  }
0x262: {  	[sflag:s3] =	ssyncadd.s32 $0xFFFFF300  }
0x263: {  	_ =	swait.ge [sflag:s3], $0xD00  }
0x264: {  	[sflag:s3] =	ssyncset.done $0x0  }
0x265: {  	[sflag:s3] =	ssyncadd.s32 $0xFFFFF300  }
0x266: {  	_ =	sfence.sel $0x180000  }
0x267: {  	[bflag:$0x0] =	sbarrier.arrive $0xFFFF  }
0x268: {  	_ =	strace $0x90000047  }
0x269: {  	s31 =	stileid.u32;
	[bflag:$0x2] =	sbarrier.arrive $0xFFFF  }
0x26a: {  	p0 =	sne.s32 s31, $0x0;
	s0 =	rddreg [dreg:$0x1]  }
0x26b: {  	s0 =	sadd.s32 @!p0 $0x100000, s0  }
0x26c: {  	[sflag:s0] =	ssyncadd.tile.s32 @!p0 $0x1;
	_ =	shalt  }
.Lfunc_end2:
_tile_overlayer_lowered:
.L_overlay_start_2:
0x26d: {  	(tag) =	ssettag $0x2  }
0x26e: {  	s0 =	rddreg [dreg:$0x0];
	s2 =	stileid.u32  }
0x26f: {  	s1 =	rddreg [dreg:$0x1];
	p0 =	sne.s32 s2, $0x0  }
0x270: {  	s3 =	rddreg [dreg:$0x2];
	[bflag:$0x3] =	sbarrier.arrive $0xFFFF;
	s2 =	simm.s32 @!p0 $0x1C05  }
0x271: {  	[timem:s3], [sflag:s2] =	dma.local @!p0 [hbm:s0], s1  }
0x272: {  	s0 =	simm.s32 @!p0 $0x5  }
0x273: {  	_ =	swait.ge @!p0 [sflag:s0], s1  }
0x274: {  	s1 =	ssub.s32 @!p0 $0x0, s1;
	[sflag:s0] =	ssyncset.done @!p0 $0x0  }
0x275: {  	[sflag:s0] =	ssyncadd.s32 @!p0 s1  }
0x276: {  	[bflag:$0x3] =	sbarrier.arrive $0xFFFF  }
0x277: {  	_ =	shalt  }

</sc_bundles>
